<compile_context>
chip_gen: v7x
topology: tpu7x:2x2x1
jax: 0.10.2.dev20260603
libtpu: 0.0.44.dev20260713+nightly
codegen_flags: <defaults>
</compile_context>

<pallas_src>
import functools

import jax
import jax.numpy as jnp
from jax import lax
from jax.experimental import pallas as pl
from jax.experimental.pallas import tpu as pltpu
from jax.experimental.pallas import tpu_sc as plsc

VOCAB = 1000000
EMB = 64
B = 4096
L = 200

NC, NS, LANES = 2, 16, 16
NW = NC * NS
BLK = B // NW

_MESH = plsc.VectorSubcoreMesh(core_axis_name="c", subcore_axis_name="s")
_PARAMS = pltpu.CompilerParams(use_tc_tiling_on_sc=True,
                               needs_layout_passes=False)


@functools.partial(
    pl.kernel,
    out_type=jax.ShapeDtypeStruct((L, EMB, B), jnp.float32),
    mesh=_MESH,
    compiler_params=_PARAMS,
    scratch_types=[
        pltpu.VMEM((L, 128), jnp.int32),
        pltpu.VMEM((2, 128, 128), jnp.float32),
        pltpu.VMEM((2, EMB, 128), jnp.float32),
        pltpu.SemaphoreType.DMA,
        pltpu.SemaphoreType.DMA,
        pltpu.SemaphoreType.DMA,
        pltpu.SemaphoreType.DMA,
    ],
)
def _gather_kernel(st_hbm, w_hbm, out_hbm, idx_v, g_v, ob_v, g0, g1, w0, w1):
    gsem = [g0, g1]
    wsem = [w0, w1]
    wid = lax.axis_index("s") * NC + lax.axis_index("c")
    b0 = wid * BLK

    pltpu.sync_copy(st_hbm.at[:, pl.ds(b0, BLK)], idx_v)

    iota = lax.iota(jnp.int32, LANES)
    rows_k = [iota + 16 * k for k in range(8)]

    def fire_gather(s, l):
        @pl.when(l < L)
        def _():
            pltpu.async_copy(w_hbm.at[idx_v.at[l]], g_v.at[s], gsem[s])

    def drain(sem, ref, n):
        pltpu.make_async_copy(w_hbm.at[pl.ds(0, n)], ref, sem).wait()

    fire_gather(0, 0)

    def pair(p, carry):
        for s in range(2):
            l = 2 * p + s
            fire_gather(1 - s, l + 1)
            drain(gsem[s], g_v.at[s], 128)

            @pl.when(l >= 2)
            def _():
                drain(wsem[s], ob_v.at[s], EMB)

            def erow(e4, c):
                e0 = e4 * 4
                for d in range(4):
                    col = jnp.full((LANES,), 0, jnp.int32) + (e0 + d)
                    for k in range(8):
                        v = plsc.load_gather(g_v.at[s], [rows_k[k], col])
                        ob_v[s, e0 + d, pl.ds(16 * k, 16)] = v
                return c

            lax.fori_loop(0, EMB // 4, erow, 0)

            pltpu.async_copy(
                ob_v.at[s], out_hbm.at[l, :, pl.ds(b0, BLK)], wsem[s])

        return carry

    lax.fori_loop(0, L // 2, pair, 0)
    drain(wsem[0], ob_v.at[0], EMB)
    drain(wsem[1], ob_v.at[1], EMB)


def kernel(src, mask, emb_table):
    del mask
    w = jnp.pad(emb_table, ((0, 0), (0, 128 - EMB)))
    st = jnp.swapaxes(src, 0, 1)
    out_t = _gather_kernel(st, w)
    return jnp.transpose(out_t, (2, 0, 1))

# --- scband reference (transcript-rebuilt; emitter-appended) ---
"""Pipeline reference for scband-simple-encoder-4011499454501 (READ-ONLY COPY).

The authoritative reference and input builder live on the scoring server;
editing this copy changes nothing except your own understanding.
"""

import jax, jax.numpy as jnp
import numpy as np

VOCAB = 1000000
EMB = 64
B = 4096
L = 200

def setup_inputs(seed: int = 0) -> dict:
    key = jax.random.key(seed)
    k_src, k_emb = jax.random.split(key, 2)
    src = jax.random.randint(k_src, (B, L), 0, VOCAB, dtype=jnp.int64 if jax.config.jax_enable_x64 else jnp.int32).astype(jnp.int32)
    mask = jnp.ones((B, L), dtype=jnp.bool_)
    emb_table = jax.random.normal(k_emb, (VOCAB, EMB), dtype=jnp.float32)
    return {"src": src, "mask": mask, "emb_table": emb_table}

def reference(src, mask, emb_table):
    # nn.Embedding lookup: gather rows of the table by index
    return jnp.take(emb_table, src, axis=0)

if __name__ == "__main__":
    import jax
    _d = setup_inputs()
    print(jax.jit(kernel)(*tuple(_d.values())))

</pallas_src>

<mosaic_0001>
#map = affine_map<(d0, d1) -> (0, 0)>
#map1 = affine_map<(d0, d1) -> (0, 0, 0)>
module attributes {stable_mosaic.version = 14 : i64} {
  func.func @_gather_kernel(%arg0: i32, %arg1: i32, %arg2: memref<200x4096xi32, #tpu.memory_space<hbm>>, %arg3: memref<1000000x128xf32, #tpu.memory_space<hbm>>, %arg4: memref<200x64x4096xf32, #tpu.memory_space<hbm>>, %arg5: memref<200x128xi32, #tpu.memory_space<vmem>>, %arg6: memref<2x128x128xf32, #tpu.memory_space<vmem>>, %arg7: memref<2x64x128xf32, #tpu.memory_space<vmem>>, %arg8: memref<!tpu.dma_semaphore, #tpu.memory_space<semaphore_mem>>, %arg9: memref<!tpu.dma_semaphore, #tpu.memory_space<semaphore_mem>>, %arg10: memref<!tpu.dma_semaphore, #tpu.memory_space<semaphore_mem>>, %arg11: memref<!tpu.dma_semaphore, #tpu.memory_space<semaphore_mem>>) attributes {dimension_semantics = [#tpu.dimension_semantics<core_parallel>, #tpu.dimension_semantics<subcore_parallel>], iteration_bounds = array<i64: 2, 16>, scalar_prefetch = 0 : i64, scratch_operands = 7 : i64, tpu.core_type = #tpu.core_type<sc_vector_subcore>, window_params = [{transform_indices = #map}, {transform_indices = #map}, {transform_indices = #map1}]} {
    %mul3A = arith.constant 2 : i32
    %mul3A_0 = arith.muli %arg1, %mul3A : i32
    %add3A = arith.addi %mul3A_0, %arg0 : i32
    %mul3A_1 = arith.constant 128 : i32
    %mul3A_2 = arith.muli %add3A, %mul3A_1 : i32
    "tpu.region"() ({
      %run_scoped3A = tpu.sem_alloc : memref<!tpu.dma_semaphore, #tpu.memory_space<semaphore_mem>>
      %dma_start3A_72 = arith.constant 0 : i32
      %dma_start3A_73 = tpu.memref_slice %arg2[%dma_start3A_72, %mul3A_2] : memref<200x4096xi32, #tpu.memory_space<hbm>> -> memref<200x128xi32, #tpu.memory_space<hbm>>
      %dma_start3A_74 = arith.constant 0 : i32
      %dma_start3A_75 = tpu.memref_slice %arg2[%dma_start3A_74, %mul3A_2] : memref<200x4096xi32, #tpu.memory_space<hbm>> -> memref<200x128xi32, #tpu.memory_space<hbm>>
      tpu.enqueue_dma source(%dma_start3A_75 : memref<200x128xi32, #tpu.memory_space<hbm>>) target(%arg5 : memref<200x128xi32, #tpu.memory_space<vmem>>) target_semaphore(%run_scoped3A : memref<!tpu.dma_semaphore, #tpu.memory_space<semaphore_mem>>)
      %dma_wait3A_76 = arith.constant 0 : i32
      %dma_wait3A_77 = tpu.memref_slice %arg2[%dma_wait3A_76, %mul3A_2] : memref<200x4096xi32, #tpu.memory_space<hbm>> -> memref<200x128xi32, #tpu.memory_space<hbm>>
      %dma_wait3A_78 = arith.constant 0 : i32
      %dma_wait3A_79 = tpu.memref_slice %arg2[%dma_wait3A_78, %mul3A_2] : memref<200x4096xi32, #tpu.memory_space<hbm>> -> memref<200x128xi32, #tpu.memory_space<hbm>>
      tpu.wait_dma2 semaphore(%run_scoped3A : memref<!tpu.dma_semaphore, #tpu.memory_space<semaphore_mem>>) src(%dma_wait3A_79 : memref<200x128xi32, #tpu.memory_space<hbm>>) dst(%arg5 : memref<200x128xi32, #tpu.memory_space<vmem>>)
      tpu.yield
    }) : () -> ()
    %iota3A = tpu.iota {dimensions = array<i32: 0>} : vector<16xi32>
    %add3A_3 = arith.constant 0 : i32
    %add3A_4 = vector.broadcast %add3A_3 : i32 to vector<16xi32>
    %add3A_5 = arith.addi %iota3A, %add3A_4 : vector<16xi32>
    %add3A_6 = arith.constant 16 : i32
    %add3A_7 = vector.broadcast %add3A_6 : i32 to vector<16xi32>
    %add3A_8 = arith.addi %iota3A, %add3A_7 : vector<16xi32>
    %add3A_9 = arith.constant 32 : i32
    %add3A_10 = vector.broadcast %add3A_9 : i32 to vector<16xi32>
    %add3A_11 = arith.addi %iota3A, %add3A_10 : vector<16xi32>
    %add3A_12 = arith.constant 48 : i32
    %add3A_13 = vector.broadcast %add3A_12 : i32 to vector<16xi32>
    %add3A_14 = arith.addi %iota3A, %add3A_13 : vector<16xi32>
    %add3A_15 = arith.constant 64 : i32
    %add3A_16 = vector.broadcast %add3A_15 : i32 to vector<16xi32>
    %add3A_17 = arith.addi %iota3A, %add3A_16 : vector<16xi32>
    %add3A_18 = arith.constant 80 : i32
    %add3A_19 = vector.broadcast %add3A_18 : i32 to vector<16xi32>
    %add3A_20 = arith.addi %iota3A, %add3A_19 : vector<16xi32>
    %add3A_21 = arith.constant 96 : i32
    %add3A_22 = vector.broadcast %add3A_21 : i32 to vector<16xi32>
    %add3A_23 = arith.addi %iota3A, %add3A_22 : vector<16xi32>
    %add3A_24 = arith.constant 112 : i32
    %add3A_25 = vector.broadcast %add3A_24 : i32 to vector<16xi32>
    %add3A_26 = arith.addi %iota3A, %add3A_25 : vector<16xi32>
    %dma_start3A = arith.constant 0 : i32
    %dma_start3A_27 = arith.constant 0 : i32
    %dma_start3A_28 = arith.constant 0 : i32
    %dma_start3A_29 = arith.constant 0 : i32
    %dma_start3A_30 = tpu.memref_slice %arg6[%dma_start3A_27, %dma_start3A_28, %dma_start3A_29] : memref<2x128x128xf32, #tpu.memory_space<vmem>> -> memref<1x128x128xf32, #tpu.memory_space<vmem>>
    %dma_start3A_31 = tpu.memref_squeeze %dma_start3A_30 : memref<1x128x128xf32, #tpu.memory_space<vmem>> -> memref<128x128xf32, #tpu.memory_space<vmem>>
    %dma_start3A_32 = arith.constant 0 : i32
    %dma_start3A_33 = tpu.memref_slice %arg5[%dma_start3A, %dma_start3A_32] : memref<200x128xi32, #tpu.memory_space<vmem>> -> memref<1x128xi32, #tpu.memory_space<vmem>>
    %dma_start3A_34 = tpu.memref_squeeze %dma_start3A_33 : memref<1x128xi32, #tpu.memory_space<vmem>> -> memref<128xi32, #tpu.memory_space<vmem>>
    %dma_start3A_35 = arith.constant 0 : i32
    %dma_start3A_36 = arith.constant 0 : i32
    %dma_start3A_37 = tpu.memref_slice %arg3[%dma_start3A_35, %dma_start3A_36] : memref<1000000x128xf32, #tpu.memory_space<hbm>> -> memref<1000000x128xf32, #tpu.memory_space<hbm>>
    tpu.enqueue_indirect_dma source(%dma_start3A_37 : memref<1000000x128xf32, #tpu.memory_space<hbm>>) target(%dma_start3A_31 : memref<128x128xf32, #tpu.memory_space<vmem>>) offsets(%dma_start3A_34 : memref<128xi32, #tpu.memory_space<vmem>>) semaphore(%arg8 : memref<!tpu.dma_semaphore, #tpu.memory_space<semaphore_mem>>)
    %scan3A = arith.constant 0 : i32
    %scan3A_38 = arith.constant 0 : i32
    %scan3A_39 = arith.constant 100 : i32
    %scan3A_40 = arith.addi %scan3A_38, %scan3A_39 : i32
    %scan3A_41 = arith.constant 1 : i32
    scf.for %scan3A_72 = %scan3A_38 to %scan3A_40 step %scan3A_41  : i32 {
      %mul3A_73 = arith.constant 2 : i32
      %mul3A_74 = arith.muli %mul3A_73, %scan3A_72 : i32
      %add3A_75 = arith.constant 0 : i32
      %add3A_76 = arith.addi %mul3A_74, %add3A_75 : i32
      %add3A_77 = arith.constant 1 : i32
      %add3A_78 = arith.addi %add3A_76, %add3A_77 : i32
      %lt3A = arith.constant 200 : i32
      %lt3A_79 = arith.cmpi slt, %add3A_78, %lt3A : i32
      %convert_element_type3A = arith.extui %lt3A_79 : i1 to i32
      %cond3A = arith.constant 0 : i32
      %cond3A_80 = arith.cmpi ne, %convert_element_type3A, %cond3A : i32
      scf.if %cond3A_80 {
        %dma_start3A_173 = arith.constant 1 : i32
        %dma_start3A_174 = arith.constant 0 : i32
        %dma_start3A_175 = arith.constant 0 : i32
        %dma_start3A_176 = tpu.memref_slice %arg6[%dma_start3A_173, %dma_start3A_174, %dma_start3A_175] : memref<2x128x128xf32, #tpu.memory_space<vmem>> -> memref<1x128x128xf32, #tpu.memory_space<vmem>>
        %dma_start3A_177 = tpu.memref_squeeze %dma_start3A_176 : memref<1x128x128xf32, #tpu.memory_space<vmem>> -> memref<128x128xf32, #tpu.memory_space<vmem>>
        %dma_start3A_178 = arith.constant 0 : i32
        %dma_start3A_179 = tpu.memref_slice %arg5[%add3A_78, %dma_start3A_178] : memref<200x128xi32, #tpu.memory_space<vmem>> -> memref<1x128xi32, #tpu.memory_space<vmem>>
        %dma_start3A_180 = tpu.memref_squeeze %dma_start3A_179 : memref<1x128xi32, #tpu.memory_space<vmem>> -> memref<128xi32, #tpu.memory_space<vmem>>
        %dma_start3A_181 = arith.constant 0 : i32
        %dma_start3A_182 = arith.constant 0 : i32
        %dma_start3A_183 = tpu.memref_slice %arg3[%dma_start3A_181, %dma_start3A_182] : memref<1000000x128xf32, #tpu.memory_space<hbm>> -> memref<1000000x128xf32, #tpu.memory_space<hbm>>
        tpu.enqueue_indirect_dma source(%dma_start3A_183 : memref<1000000x128xf32, #tpu.memory_space<hbm>>) target(%dma_start3A_177 : memref<128x128xf32, #tpu.memory_space<vmem>>) offsets(%dma_start3A_180 : memref<128xi32, #tpu.memory_space<vmem>>) semaphore(%arg9 : memref<!tpu.dma_semaphore, #tpu.memory_space<semaphore_mem>>)
      } else {
      }
      %dma_wait3A_81 = arith.constant 0 : i32
      %dma_wait3A_82 = arith.constant 0 : i32
      %dma_wait3A_83 = arith.constant 0 : i32
      %dma_wait3A_84 = tpu.memref_slice %arg6[%dma_wait3A_81, %dma_wait3A_82, %dma_wait3A_83] : memref<2x128x128xf32, #tpu.memory_space<vmem>> -> memref<1x128x128xf32, #tpu.memory_space<vmem>>
      %dma_wait3A_85 = tpu.memref_squeeze %dma_wait3A_84 : memref<1x128x128xf32, #tpu.memory_space<vmem>> -> memref<128x128xf32, #tpu.memory_space<vmem>>
      %dma_wait3A_86 = arith.constant 0 : i32
      %dma_wait3A_87 = arith.constant 0 : i32
      %dma_wait3A_88 = tpu.memref_slice %arg3[%dma_wait3A_86, %dma_wait3A_87] : memref<1000000x128xf32, #tpu.memory_space<hbm>> -> memref<128x128xf32, #tpu.memory_space<hbm>>
      %dma_wait3A_89 = arith.constant 0 : i32
      %dma_wait3A_90 = arith.constant 0 : i32
      %dma_wait3A_91 = tpu.memref_slice %arg6[%dma_wait3A_81, %dma_wait3A_89, %dma_wait3A_90] : memref<2x128x128xf32, #tpu.memory_space<vmem>> -> memref<1x128x128xf32, #tpu.memory_space<vmem>>
      %dma_wait3A_92 = tpu.memref_squeeze %dma_wait3A_91 : memref<1x128x128xf32, #tpu.memory_space<vmem>> -> memref<128x128xf32, #tpu.memory_space<vmem>>
      %dma_wait3A_93 = arith.constant 0 : i32
      %dma_wait3A_94 = arith.constant 0 : i32
      %dma_wait3A_95 = tpu.memref_slice %arg3[%dma_wait3A_93, %dma_wait3A_94] : memref<1000000x128xf32, #tpu.memory_space<hbm>> -> memref<128x128xf32, #tpu.memory_space<hbm>>
      tpu.wait_dma2 semaphore(%arg8 : memref<!tpu.dma_semaphore, #tpu.memory_space<semaphore_mem>>) src(%dma_wait3A_95 : memref<128x128xf32, #tpu.memory_space<hbm>>) dst(%dma_wait3A_92 : memref<128x128xf32, #tpu.memory_space<vmem>>)
      %ge3A = arith.constant 2 : i32
      %ge3A_96 = arith.cmpi sge, %add3A_76, %ge3A : i32
      %convert_element_type3A_97 = arith.extui %ge3A_96 : i1 to i32
      %cond3A_98 = arith.constant 0 : i32
      %cond3A_99 = arith.cmpi ne, %convert_element_type3A_97, %cond3A_98 : i32
      scf.if %cond3A_99 {
        %dma_wait3A_173 = arith.constant 0 : i32
        %dma_wait3A_174 = arith.constant 0 : i32
        %dma_wait3A_175 = arith.constant 0 : i32
        %dma_wait3A_176 = tpu.memref_slice %arg7[%dma_wait3A_173, %dma_wait3A_174, %dma_wait3A_175] : memref<2x64x128xf32, #tpu.memory_space<vmem>> -> memref<1x64x128xf32, #tpu.memory_space<vmem>>
        %dma_wait3A_177 = tpu.memref_squeeze %dma_wait3A_176 : memref<1x64x128xf32, #tpu.memory_space<vmem>> -> memref<64x128xf32, #tpu.memory_space<vmem>>
        %dma_wait3A_178 = arith.constant 0 : i32
        %dma_wait3A_179 = arith.constant 0 : i32
        %dma_wait3A_180 = tpu.memref_slice %arg3[%dma_wait3A_178, %dma_wait3A_179] : memref<1000000x128xf32, #tpu.memory_space<hbm>> -> memref<64x128xf32, #tpu.memory_space<hbm>>
        %dma_wait3A_181 = arith.constant 0 : i32
        %dma_wait3A_182 = arith.constant 0 : i32
        %dma_wait3A_183 = tpu.memref_slice %arg7[%dma_wait3A_173, %dma_wait3A_181, %dma_wait3A_182] : memref<2x64x128xf32, #tpu.memory_space<vmem>> -> memref<1x64x128xf32, #tpu.memory_space<vmem>>
        %dma_wait3A_184 = tpu.memref_squeeze %dma_wait3A_183 : memref<1x64x128xf32, #tpu.memory_space<vmem>> -> memref<64x128xf32, #tpu.memory_space<vmem>>
        %dma_wait3A_185 = arith.constant 0 : i32
        %dma_wait3A_186 = arith.constant 0 : i32
        %dma_wait3A_187 = tpu.memref_slice %arg3[%dma_wait3A_185, %dma_wait3A_186] : memref<1000000x128xf32, #tpu.memory_space<hbm>> -> memref<64x128xf32, #tpu.memory_space<hbm>>
        tpu.wait_dma2 semaphore(%arg10 : memref<!tpu.dma_semaphore, #tpu.memory_space<semaphore_mem>>) src(%dma_wait3A_187 : memref<64x128xf32, #tpu.memory_space<hbm>>) dst(%dma_wait3A_184 : memref<64x128xf32, #tpu.memory_space<vmem>>)
      } else {
      }
      %scan3A_100 = arith.constant 0 : i32
      %scan3A_101 = arith.constant 0 : i32
      %scan3A_102 = arith.constant 16 : i32
      %scan3A_103 = arith.addi %scan3A_101, %scan3A_102 : i32
      %scan3A_104 = arith.constant 1 : i32
      scf.for %scan3A_173 = %scan3A_101 to %scan3A_103 step %scan3A_104  : i32 {
        %mul3A_174 = arith.constant 4 : i32
        %mul3A_175 = arith.muli %scan3A_173, %mul3A_174 : i32
        %broadcast_in_dim3A = arith.constant 0 : i32
        %broadcast_in_dim3A_176 = vector.broadcast %broadcast_in_dim3A : i32 to vector<16xi32>
        %add3A_177 = arith.constant 0 : i32
        %add3A_178 = arith.addi %mul3A_175, %add3A_177 : i32
        %add3A_179 = vector.broadcast %add3A_178 : i32 to vector<16xi32>
        %add3A_180 = arith.addi %broadcast_in_dim3A_176, %add3A_179 : vector<16xi32>
        %gather3A = arith.constant 0 : i32
        %gather3A_181 = arith.constant 0 : i32
        %gather3A_182 = arith.constant 0 : i32
        %gather3A_183 = tpu.memref_slice %arg6[%gather3A, %gather3A_181, %gather3A_182] : memref<2x128x128xf32, #tpu.memory_space<vmem>> -> memref<1x128x128xf32, #tpu.memory_space<vmem>>
        %gather3A_184 = tpu.memref_squeeze %gather3A_183 : memref<1x128x128xf32, #tpu.memory_space<vmem>> -> memref<128x128xf32, #tpu.memory_space<vmem>>
        %gather3A_185 = tpu.vector_load_idx %gather3A_184[%add3A_5, %add3A_180] : memref<128x128xf32, #tpu.memory_space<vmem>>[vector<16xi32>, vector<16xi32>], vector<16xf32>,
        %add3A_186 = arith.constant 0 : i32
        %add3A_187 = arith.addi %mul3A_175, %add3A_186 : i32
        %swap3A = arith.constant 0 : i32
        %swap3A_188 = arith.index_cast %swap3A : i32 to index
        %swap3A_189 = arith.index_cast %add3A_187 : i32 to index
        %swap3A_190 = arith.constant 0 : index
        %swap3A_191 = tpu.vector_load %arg7[%swap3A_188, %swap3A_189, %swap3A_190] {strides = array<i32>} : memref<2x64x128xf32, #tpu.memory_space<vmem>>, vector<16xf32>,
        tpu.vector_store %arg7[%swap3A_188, %swap3A_189, %swap3A_190], %gather3A_185 {strides = array<i32>} : memref<2x64x128xf32, #tpu.memory_space<vmem>>, vector<16xf32>,
        %gather3A_192 = arith.constant 0 : i32
        %gather3A_193 = arith.constant 0 : i32
        %gather3A_194 = arith.constant 0 : i32
        %gather3A_195 = tpu.memref_slice %arg6[%gather3A_192, %gather3A_193, %gather3A_194] : memref<2x128x128xf32, #tpu.memory_space<vmem>> -> memref<1x128x128xf32, #tpu.memory_space<vmem>>
        %gather3A_196 = tpu.memref_squeeze %gather3A_195 : memref<1x128x128xf32, #tpu.memory_space<vmem>> -> memref<128x128xf32, #tpu.memory_space<vmem>>
        %gather3A_197 = tpu.vector_load_idx %gather3A_196[%add3A_8, %add3A_180] : memref<128x128xf32, #tpu.memory_space<vmem>>[vector<16xi32>, vector<16xi32>], vector<16xf32>,
        %add3A_198 = arith.constant 0 : i32
        %add3A_199 = arith.addi %mul3A_175, %add3A_198 : i32
        %swap3A_200 = arith.constant 0 : i32
        %swap3A_201 = arith.index_cast %swap3A_200 : i32 to index
        %swap3A_202 = arith.index_cast %add3A_199 : i32 to index
        %swap3A_203 = arith.constant 16 : index
        %swap3A_204 = tpu.vector_load %arg7[%swap3A_201, %swap3A_202, %swap3A_203] {strides = array<i32>} : memref<2x64x128xf32, #tpu.memory_space<vmem>>, vector<16xf32>,
        tpu.vector_store %arg7[%swap3A_201, %swap3A_202, %swap3A_203], %gather3A_197 {strides = array<i32>} : memref<2x64x128xf32, #tpu.memory_space<vmem>>, vector<16xf32>,
        %gather3A_205 = arith.constant 0 : i32
        %gather3A_206 = arith.constant 0 : i32
        %gather3A_207 = arith.constant 0 : i32
        %gather3A_208 = tpu.memref_slice %arg6[%gather3A_205, %gather3A_206, %gather3A_207] : memref<2x128x128xf32, #tpu.memory_space<vmem>> -> memref<1x128x128xf32, #tpu.memory_space<vmem>>
        %gather3A_209 = tpu.memref_squeeze %gather3A_208 : memref<1x128x128xf32, #tpu.memory_space<vmem>> -> memref<128x128xf32, #tpu.memory_space<vmem>>
        %gather3A_210 = tpu.vector_load_idx %gather3A_209[%add3A_11, %add3A_180] : memref<128x128xf32, #tpu.memory_space<vmem>>[vector<16xi32>, vector<16xi32>], vector<16xf32>,
        %add3A_211 = arith.constant 0 : i32
        %add3A_212 = arith.addi %mul3A_175, %add3A_211 : i32
        %swap3A_213 = arith.constant 0 : i32
        %swap3A_214 = arith.index_cast %swap3A_213 : i32 to index
        %swap3A_215 = arith.index_cast %add3A_212 : i32 to index
        %swap3A_216 = arith.constant 32 : index
        %swap3A_217 = tpu.vector_load %arg7[%swap3A_214, %swap3A_215, %swap3A_216] {strides = array<i32>} : memref<2x64x128xf32, #tpu.memory_space<vmem>>, vector<16xf32>,
        tpu.vector_store %arg7[%swap3A_214, %swap3A_215, %swap3A_216], %gather3A_210 {strides = array<i32>} : memref<2x64x128xf32, #tpu.memory_space<vmem>>, vector<16xf32>,
        %gather3A_218 = arith.constant 0 : i32
        %gather3A_219 = arith.constant 0 : i32
        %gather3A_220 = arith.constant 0 : i32
        %gather3A_221 = tpu.memref_slice %arg6[%gather3A_218, %gather3A_219, %gather3A_220] : memref<2x128x128xf32, #tpu.memory_space<vmem>> -> memref<1x128x128xf32, #tpu.memory_space<vmem>>
        %gather3A_222 = tpu.memref_squeeze %gather3A_221 : memref<1x128x128xf32, #tpu.memory_space<vmem>> -> memref<128x128xf32, #tpu.memory_space<vmem>>
        %gather3A_223 = tpu.vector_load_idx %gather3A_222[%add3A_14, %add3A_180] : memref<128x128xf32, #tpu.memory_space<vmem>>[vector<16xi32>, vector<16xi32>], vector<16xf32>,
        %add3A_224 = arith.constant 0 : i32
        %add3A_225 = arith.addi %mul3A_175, %add3A_224 : i32
        %swap3A_226 = arith.constant 0 : i32
        %swap3A_227 = arith.index_cast %swap3A_226 : i32 to index
        %swap3A_228 = arith.index_cast %add3A_225 : i32 to index
        %swap3A_229 = arith.constant 48 : index
        %swap3A_230 = tpu.vector_load %arg7[%swap3A_227, %swap3A_228, %swap3A_229] {strides = array<i32>} : memref<2x64x128xf32, #tpu.memory_space<vmem>>, vector<16xf32>,
        tpu.vector_store %arg7[%swap3A_227, %swap3A_228, %swap3A_229], %gather3A_223 {strides = array<i32>} : memref<2x64x128xf32, #tpu.memory_space<vmem>>, vector<16xf32>,
        %gather3A_231 = arith.constant 0 : i32
        %gather3A_232 = arith.constant 0 : i32
        %gather3A_233 = arith.constant 0 : i32
        %gather3A_234 = tpu.memref_slice %arg6[%gather3A_231, %gather3A_232, %gather3A_233] : memref<2x128x128xf32, #tpu.memory_space<vmem>> -> memref<1x128x128xf32, #tpu.memory_space<vmem>>
        %gather3A_235 = tpu.memref_squeeze %gather3A_234 : memref<1x128x128xf32, #tpu.memory_space<vmem>> -> memref<128x128xf32, #tpu.memory_space<vmem>>
        %gather3A_236 = tpu.vector_load_idx %gather3A_235[%add3A_17, %add3A_180] : memref<128x128xf32, #tpu.memory_space<vmem>>[vector<16xi32>, vector<16xi32>], vector<16xf32>,
        %add3A_237 = arith.constant 0 : i32
        %add3A_238 = arith.addi %mul3A_175, %add3A_237 : i32
        %swap3A_239 = arith.constant 0 : i32
        %swap3A_240 = arith.index_cast %swap3A_239 : i32 to index
        %swap3A_241 = arith.index_cast %add3A_238 : i32 to index
        %swap3A_242 = arith.constant 64 : index
        %swap3A_243 = tpu.vector_load %arg7[%swap3A_240, %swap3A_241, %swap3A_242] {strides = array<i32>} : memref<2x64x128xf32, #tpu.memory_space<vmem>>, vector<16xf32>,
        tpu.vector_store %arg7[%swap3A_240, %swap3A_241, %swap3A_242], %gather3A_236 {strides = array<i32>} : memref<2x64x128xf32, #tpu.memory_space<vmem>>, vector<16xf32>,
        %gather3A_244 = arith.constant 0 : i32
        %gather3A_245 = arith.constant 0 : i32
        %gather3A_246 = arith.constant 0 : i32
        %gather3A_247 = tpu.memref_slice %arg6[%gather3A_244, %gather3A_245, %gather3A_246] : memref<2x128x128xf32, #tpu.memory_space<vmem>> -> memref<1x128x128xf32, #tpu.memory_space<vmem>>
        %gather3A_248 = tpu.memref_squeeze %gather3A_247 : memref<1x128x128xf32, #tpu.memory_space<vmem>> -> memref<128x128xf32, #tpu.memory_space<vmem>>
        %gather3A_249 = tpu.vector_load_idx %gather3A_248[%add3A_20, %add3A_180] : memref<128x128xf32, #tpu.memory_space<vmem>>[vector<16xi32>, vector<16xi32>], vector<16xf32>,
        %add3A_250 = arith.constant 0 : i32
        %add3A_251 = arith.addi %mul3A_175, %add3A_250 : i32
        %swap3A_252 = arith.constant 0 : i32
        %swap3A_253 = arith.index_cast %swap3A_252 : i32 to index
        %swap3A_254 = arith.index_cast %add3A_251 : i32 to index
        %swap3A_255 = arith.constant 80 : index
        %swap3A_256 = tpu.vector_load %arg7[%swap3A_253, %swap3A_254, %swap3A_255] {strides = array<i32>} : memref<2x64x128xf32, #tpu.memory_space<vmem>>, vector<16xf32>,
        tpu.vector_store %arg7[%swap3A_253, %swap3A_254, %swap3A_255], %gather3A_249 {strides = array<i32>} : memref<2x64x128xf32, #tpu.memory_space<vmem>>, vector<16xf32>,
        %gather3A_257 = arith.constant 0 : i32
        %gather3A_258 = arith.constant 0 : i32
        %gather3A_259 = arith.constant 0 : i32
        %gather3A_260 = tpu.memref_slice %arg6[%gather3A_257, %gather3A_258, %gather3A_259] : memref<2x128x128xf32, #tpu.memory_space<vmem>> -> memref<1x128x128xf32, #tpu.memory_space<vmem>>
        %gather3A_261 = tpu.memref_squeeze %gather3A_260 : memref<1x128x128xf32, #tpu.memory_space<vmem>> -> memref<128x128xf32, #tpu.memory_space<vmem>>
        %gather3A_262 = tpu.vector_load_idx %gather3A_261[%add3A_23, %add3A_180] : memref<128x128xf32, #tpu.memory_space<vmem>>[vector<16xi32>, vector<16xi32>], vector<16xf32>,
        %add3A_263 = arith.constant 0 : i32
        %add3A_264 = arith.addi %mul3A_175, %add3A_263 : i32
        %swap3A_265 = arith.constant 0 : i32
        %swap3A_266 = arith.index_cast %swap3A_265 : i32 to index
        %swap3A_267 = arith.index_cast %add3A_264 : i32 to index
        %swap3A_268 = arith.constant 96 : index
        %swap3A_269 = tpu.vector_load %arg7[%swap3A_266, %swap3A_267, %swap3A_268] {strides = array<i32>} : memref<2x64x128xf32, #tpu.memory_space<vmem>>, vector<16xf32>,
        tpu.vector_store %arg7[%swap3A_266, %swap3A_267, %swap3A_268], %gather3A_262 {strides = array<i32>} : memref<2x64x128xf32, #tpu.memory_space<vmem>>, vector<16xf32>,
        %gather3A_270 = arith.constant 0 : i32
        %gather3A_271 = arith.constant 0 : i32
        %gather3A_272 = arith.constant 0 : i32
        %gather3A_273 = tpu.memref_slice %arg6[%gather3A_270, %gather3A_271, %gather3A_272] : memref<2x128x128xf32, #tpu.memory_space<vmem>> -> memref<1x128x128xf32, #tpu.memory_space<vmem>>
        %gather3A_274 = tpu.memref_squeeze %gather3A_273 : memref<1x128x128xf32, #tpu.memory_space<vmem>> -> memref<128x128xf32, #tpu.memory_space<vmem>>
        %gather3A_275 = tpu.vector_load_idx %gather3A_274[%add3A_26, %add3A_180] : memref<128x128xf32, #tpu.memory_space<vmem>>[vector<16xi32>, vector<16xi32>], vector<16xf32>,
        %add3A_276 = arith.constant 0 : i32
        %add3A_277 = arith.addi %mul3A_175, %add3A_276 : i32
        %swap3A_278 = arith.constant 0 : i32
        %swap3A_279 = arith.index_cast %swap3A_278 : i32 to index
        %swap3A_280 = arith.index_cast %add3A_277 : i32 to index
        %swap3A_281 = arith.constant 112 : index
        %swap3A_282 = tpu.vector_load %arg7[%swap3A_279, %swap3A_280, %swap3A_281] {strides = array<i32>} : memref<2x64x128xf32, #tpu.memory_space<vmem>>, vector<16xf32>,
        tpu.vector_store %arg7[%swap3A_279, %swap3A_280, %swap3A_281], %gather3A_275 {strides = array<i32>} : memref<2x64x128xf32, #tpu.memory_space<vmem>>, vector<16xf32>,
        %broadcast_in_dim3A_283 = arith.constant 0 : i32
        %broadcast_in_dim3A_284 = vector.broadcast %broadcast_in_dim3A_283 : i32 to vector<16xi32>
        %add3A_285 = arith.constant 1 : i32
        %add3A_286 = arith.addi %mul3A_175, %add3A_285 : i32
        %add3A_287 = vector.broadcast %add3A_286 : i32 to vector<16xi32>
        %add3A_288 = arith.addi %broadcast_in_dim3A_284, %add3A_287 : vector<16xi32>
        %gather3A_289 = arith.constant 0 : i32
        %gather3A_290 = arith.constant 0 : i32
        %gather3A_291 = arith.constant 0 : i32
        %gather3A_292 = tpu.memref_slice %arg6[%gather3A_289, %gather3A_290, %gather3A_291] : memref<2x128x128xf32, #tpu.memory_space<vmem>> -> memref<1x128x128xf32, #tpu.memory_space<vmem>>
        %gather3A_293 = tpu.memref_squeeze %gather3A_292 : memref<1x128x128xf32, #tpu.memory_space<vmem>> -> memref<128x128xf32, #tpu.memory_space<vmem>>
        %gather3A_294 = tpu.vector_load_idx %gather3A_293[%add3A_5, %add3A_288] : memref<128x128xf32, #tpu.memory_space<vmem>>[vector<16xi32>, vector<16xi32>], vector<16xf32>,
        %add3A_295 = arith.constant 1 : i32
        %add3A_296 = arith.addi %mul3A_175, %add3A_295 : i32
        %swap3A_297 = arith.constant 0 : i32
        %swap3A_298 = arith.index_cast %swap3A_297 : i32 to index
        %swap3A_299 = arith.index_cast %add3A_296 : i32 to index
        %swap3A_300 = arith.constant 0 : index
        %swap3A_301 = tpu.vector_load %arg7[%swap3A_298, %swap3A_299, %swap3A_300] {strides = array<i32>} : memref<2x64x128xf32, #tpu.memory_space<vmem>>, vector<16xf32>,
        tpu.vector_store %arg7[%swap3A_298, %swap3A_299, %swap3A_300], %gather3A_294 {strides = array<i32>} : memref<2x64x128xf32, #tpu.memory_space<vmem>>, vector<16xf32>,
        %gather3A_302 = arith.constant 0 : i32
        %gather3A_303 = arith.constant 0 : i32
        %gather3A_304 = arith.constant 0 : i32
        %gather3A_305 = tpu.memref_slice %arg6[%gather3A_302, %gather3A_303, %gather3A_304] : memref<2x128x128xf32, #tpu.memory_space<vmem>> -> memref<1x128x128xf32, #tpu.memory_space<vmem>>
        %gather3A_306 = tpu.memref_squeeze %gather3A_305 : memref<1x128x128xf32, #tpu.memory_space<vmem>> -> memref<128x128xf32, #tpu.memory_space<vmem>>
        %gather3A_307 = tpu.vector_load_idx %gather3A_306[%add3A_8, %add3A_288] : memref<128x128xf32, #tpu.memory_space<vmem>>[vector<16xi32>, vector<16xi32>], vector<16xf32>,
        %add3A_308 = arith.constant 1 : i32
        %add3A_309 = arith.addi %mul3A_175, %add3A_308 : i32
        %swap3A_310 = arith.constant 0 : i32
        %swap3A_311 = arith.index_cast %swap3A_310 : i32 to index
        %swap3A_312 = arith.index_cast %add3A_309 : i32 to index
        %swap3A_313 = arith.constant 16 : index
        %swap3A_314 = tpu.vector_load %arg7[%swap3A_311, %swap3A_312, %swap3A_313] {strides = array<i32>} : memref<2x64x128xf32, #tpu.memory_space<vmem>>, vector<16xf32>,
        tpu.vector_store %arg7[%swap3A_311, %swap3A_312, %swap3A_313], %gather3A_307 {strides = array<i32>} : memref<2x64x128xf32, #tpu.memory_space<vmem>>, vector<16xf32>,
        %gather3A_315 = arith.constant 0 : i32
        %gather3A_316 = arith.constant 0 : i32
        %gather3A_317 = arith.constant 0 : i32
        %gather3A_318 = tpu.memref_slice %arg6[%gather3A_315, %gather3A_316, %gather3A_317] : memref<2x128x128xf32, #tpu.memory_space<vmem>> -> memref<1x128x128xf32, #tpu.memory_space<vmem>>
        %gather3A_319 = tpu.memref_squeeze %gather3A_318 : memref<1x128x128xf32, #tpu.memory_space<vmem>> -> memref<128x128xf32, #tpu.memory_space<vmem>>
        %gather3A_320 = tpu.vector_load_idx %gather3A_319[%add3A_11, %add3A_288] : memref<128x128xf32, #tpu.memory_space<vmem>>[vector<16xi32>, vector<16xi32>], vector<16xf32>,
        %add3A_321 = arith.constant 1 : i32
        %add3A_322 = arith.addi %mul3A_175, %add3A_321 : i32
        %swap3A_323 = arith.constant 0 : i32
        %swap3A_324 = arith.index_cast %swap3A_323 : i32 to index
        %swap3A_325 = arith.index_cast %add3A_322 : i32 to index
        %swap3A_326 = arith.constant 32 : index
        %swap3A_327 = tpu.vector_load %arg7[%swap3A_324, %swap3A_325, %swap3A_326] {strides = array<i32>} : memref<2x64x128xf32, #tpu.memory_space<vmem>>, vector<16xf32>,
        tpu.vector_store %arg7[%swap3A_324, %swap3A_325, %swap3A_326], %gather3A_320 {strides = array<i32>} : memref<2x64x128xf32, #tpu.memory_space<vmem>>, vector<16xf32>,
        %gather3A_328 = arith.constant 0 : i32
        %gather3A_329 = arith.constant 0 : i32
        %gather3A_330 = arith.constant 0 : i32
        %gather3A_331 = tpu.memref_slice %arg6[%gather3A_328, %gather3A_329, %gather3A_330] : memref<2x128x128xf32, #tpu.memory_space<vmem>> -> memref<1x128x128xf32, #tpu.memory_space<vmem>>
        %gather3A_332 = tpu.memref_squeeze %gather3A_331 : memref<1x128x128xf32, #tpu.memory_space<vmem>> -> memref<128x128xf32, #tpu.memory_space<vmem>>
        %gather3A_333 = tpu.vector_load_idx %gather3A_332[%add3A_14, %add3A_288] : memref<128x128xf32, #tpu.memory_space<vmem>>[vector<16xi32>, vector<16xi32>], vector<16xf32>,
        %add3A_334 = arith.constant 1 : i32
        %add3A_335 = arith.addi %mul3A_175, %add3A_334 : i32
        %swap3A_336 = arith.constant 0 : i32
        %swap3A_337 = arith.index_cast %swap3A_336 : i32 to index
        %swap3A_338 = arith.index_cast %add3A_335 : i32 to index
        %swap3A_339 = arith.constant 48 : index
        %swap3A_340 = tpu.vector_load %arg7[%swap3A_337, %swap3A_338, %swap3A_339] {strides = array<i32>} : memref<2x64x128xf32, #tpu.memory_space<vmem>>, vector<16xf32>,
        tpu.vector_store %arg7[%swap3A_337, %swap3A_338, %swap3A_339], %gather3A_333 {strides = array<i32>} : memref<2x64x128xf32, #tpu.memory_space<vmem>>, vector<16xf32>,
        %gather3A_341 = arith.constant 0 : i32
        %gather3A_342 = arith.constant 0 : i32
        %gather3A_343 = arith.constant 0 : i32
        %gather3A_344 = tpu.memref_slice %arg6[%gather3A_341, %gather3A_342, %gather3A_343] : memref<2x128x128xf32, #tpu.memory_space<vmem>> -> memref<1x128x128xf32, #tpu.memory_space<vmem>>
        %gather3A_345 = tpu.memref_squeeze %gather3A_344 : memref<1x128x128xf32, #tpu.memory_space<vmem>> -> memref<128x128xf32, #tpu.memory_space<vmem>>
        %gather3A_346 = tpu.vector_load_idx %gather3A_345[%add3A_17, %add3A_288] : memref<128x128xf32, #tpu.memory_space<vmem>>[vector<16xi32>, vector<16xi32>], vector<16xf32>,
        %add3A_347 = arith.constant 1 : i32
        %add3A_348 = arith.addi %mul3A_175, %add3A_347 : i32
        %swap3A_349 = arith.constant 0 : i32
        %swap3A_350 = arith.index_cast %swap3A_349 : i32 to index
        %swap3A_351 = arith.index_cast %add3A_348 : i32 to index
        %swap3A_352 = arith.constant 64 : index
        %swap3A_353 = tpu.vector_load %arg7[%swap3A_350, %swap3A_351, %swap3A_352] {strides = array<i32>} : memref<2x64x128xf32, #tpu.memory_space<vmem>>, vector<16xf32>,
        tpu.vector_store %arg7[%swap3A_350, %swap3A_351, %swap3A_352], %gather3A_346 {strides = array<i32>} : memref<2x64x128xf32, #tpu.memory_space<vmem>>, vector<16xf32>,
        %gather3A_354 = arith.constant 0 : i32
        %gather3A_355 = arith.constant 0 : i32
        %gather3A_356 = arith.constant 0 : i32
        %gather3A_357 = tpu.memref_slice %arg6[%gather3A_354, %gather3A_355, %gather3A_356] : memref<2x128x128xf32, #tpu.memory_space<vmem>> -> memref<1x128x128xf32, #tpu.memory_space<vmem>>
        %gather3A_358 = tpu.memref_squeeze %gather3A_357 : memref<1x128x128xf32, #tpu.memory_space<vmem>> -> memref<128x128xf32, #tpu.memory_space<vmem>>
        %gather3A_359 = tpu.vector_load_idx %gather3A_358[%add3A_20, %add3A_288] : memref<128x128xf32, #tpu.memory_space<vmem>>[vector<16xi32>, vector<16xi32>], vector<16xf32>,
        %add3A_360 = arith.constant 1 : i32
        %add3A_361 = arith.addi %mul3A_175, %add3A_360 : i32
        %swap3A_362 = arith.constant 0 : i32
        %swap3A_363 = arith.index_cast %swap3A_362 : i32 to index
        %swap3A_364 = arith.index_cast %add3A_361 : i32 to index
        %swap3A_365 = arith.constant 80 : index
        %swap3A_366 = tpu.vector_load %arg7[%swap3A_363, %swap3A_364, %swap3A_365] {strides = array<i32>} : memref<2x64x128xf32, #tpu.memory_space<vmem>>, vector<16xf32>,
        tpu.vector_store %arg7[%swap3A_363, %swap3A_364, %swap3A_365], %gather3A_359 {strides = array<i32>} : memref<2x64x128xf32, #tpu.memory_space<vmem>>, vector<16xf32>,
        %gather3A_367 = arith.constant 0 : i32
        %gather3A_368 = arith.constant 0 : i32
        %gather3A_369 = arith.constant 0 : i32
        %gather3A_370 = tpu.memref_slice %arg6[%gather3A_367, %gather3A_368, %gather3A_369] : memref<2x128x128xf32, #tpu.memory_space<vmem>> -> memref<1x128x128xf32, #tpu.memory_space<vmem>>
        %gather3A_371 = tpu.memref_squeeze %gather3A_370 : memref<1x128x128xf32, #tpu.memory_space<vmem>> -> memref<128x128xf32, #tpu.memory_space<vmem>>
        %gather3A_372 = tpu.vector_load_idx %gather3A_371[%add3A_23, %add3A_288] : memref<128x128xf32, #tpu.memory_space<vmem>>[vector<16xi32>, vector<16xi32>], vector<16xf32>,
        %add3A_373 = arith.constant 1 : i32
        %add3A_374 = arith.addi %mul3A_175, %add3A_373 : i32
        %swap3A_375 = arith.constant 0 : i32
        %swap3A_376 = arith.index_cast %swap3A_375 : i32 to index
        %swap3A_377 = arith.index_cast %add3A_374 : i32 to index
        %swap3A_378 = arith.constant 96 : index
        %swap3A_379 = tpu.vector_load %arg7[%swap3A_376, %swap3A_377, %swap3A_378] {strides = array<i32>} : memref<2x64x128xf32, #tpu.memory_space<vmem>>, vector<16xf32>,
        tpu.vector_store %arg7[%swap3A_376, %swap3A_377, %swap3A_378], %gather3A_372 {strides = array<i32>} : memref<2x64x128xf32, #tpu.memory_space<vmem>>, vector<16xf32>,
        %gather3A_380 = arith.constant 0 : i32
        %gather3A_381 = arith.constant 0 : i32
        %gather3A_382 = arith.constant 0 : i32
        %gather3A_383 = tpu.memref_slice %arg6[%gather3A_380, %gather3A_381, %gather3A_382] : memref<2x128x128xf32, #tpu.memory_space<vmem>> -> memref<1x128x128xf32, #tpu.memory_space<vmem>>
        %gather3A_384 = tpu.memref_squeeze %gather3A_383 : memref<1x128x128xf32, #tpu.memory_space<vmem>> -> memref<128x128xf32, #tpu.memory_space<vmem>>
        %gather3A_385 = tpu.vector_load_idx %gather3A_384[%add3A_26, %add3A_288] : memref<128x128xf32, #tpu.memory_space<vmem>>[vector<16xi32>, vector<16xi32>], vector<16xf32>,
        %add3A_386 = arith.constant 1 : i32
        %add3A_387 = arith.addi %mul3A_175, %add3A_386 : i32
        %swap3A_388 = arith.constant 0 : i32
        %swap3A_389 = arith.index_cast %swap3A_388 : i32 to index
        %swap3A_390 = arith.index_cast %add3A_387 : i32 to index
        %swap3A_391 = arith.constant 112 : index
        %swap3A_392 = tpu.vector_load %arg7[%swap3A_389, %swap3A_390, %swap3A_391] {strides = array<i32>} : memref<2x64x128xf32, #tpu.memory_space<vmem>>, vector<16xf32>,
        tpu.vector_store %arg7[%swap3A_389, %swap3A_390, %swap3A_391], %gather3A_385 {strides = array<i32>} : memref<2x64x128xf32, #tpu.memory_space<vmem>>, vector<16xf32>,
        %broadcast_in_dim3A_393 = arith.constant 0 : i32
        %broadcast_in_dim3A_394 = vector.broadcast %broadcast_in_dim3A_393 : i32 to vector<16xi32>
        %add3A_395 = arith.constant 2 : i32
        %add3A_396 = arith.addi %mul3A_175, %add3A_395 : i32
        %add3A_397 = vector.broadcast %add3A_396 : i32 to vector<16xi32>
        %add3A_398 = arith.addi %broadcast_in_dim3A_394, %add3A_397 : vector<16xi32>
        %gather3A_399 = arith.constant 0 : i32
        %gather3A_400 = arith.constant 0 : i32
        %gather3A_401 = arith.constant 0 : i32
        %gather3A_402 = tpu.memref_slice %arg6[%gather3A_399, %gather3A_400, %gather3A_401] : memref<2x128x128xf32, #tpu.memory_space<vmem>> -> memref<1x128x128xf32, #tpu.memory_space<vmem>>
        %gather3A_403 = tpu.memref_squeeze %gather3A_402 : memref<1x128x128xf32, #tpu.memory_space<vmem>> -> memref<128x128xf32, #tpu.memory_space<vmem>>
        %gather3A_404 = tpu.vector_load_idx %gather3A_403[%add3A_5, %add3A_398] : memref<128x128xf32, #tpu.memory_space<vmem>>[vector<16xi32>, vector<16xi32>], vector<16xf32>,
        %add3A_405 = arith.constant 2 : i32
        %add3A_406 = arith.addi %mul3A_175, %add3A_405 : i32
        %swap3A_407 = arith.constant 0 : i32
        %swap3A_408 = arith.index_cast %swap3A_407 : i32 to index
        %swap3A_409 = arith.index_cast %add3A_406 : i32 to index
        %swap3A_410 = arith.constant 0 : index
        %swap3A_411 = tpu.vector_load %arg7[%swap3A_408, %swap3A_409, %swap3A_410] {strides = array<i32>} : memref<2x64x128xf32, #tpu.memory_space<vmem>>, vector<16xf32>,
        tpu.vector_store %arg7[%swap3A_408, %swap3A_409, %swap3A_410], %gather3A_404 {strides = array<i32>} : memref<2x64x128xf32, #tpu.memory_space<vmem>>, vector<16xf32>,
        %gather3A_412 = arith.constant 0 : i32
        %gather3A_413 = arith.constant 0 : i32
        %gather3A_414 = arith.constant 0 : i32
        %gather3A_415 = tpu.memref_slice %arg6[%gather3A_412, %gather3A_413, %gather3A_414] : memref<2x128x128xf32, #tpu.memory_space<vmem>> -> memref<1x128x128xf32, #tpu.memory_space<vmem>>
        %gather3A_416 = tpu.memref_squeeze %gather3A_415 : memref<1x128x128xf32, #tpu.memory_space<vmem>> -> memref<128x128xf32, #tpu.memory_space<vmem>>
        %gather3A_417 = tpu.vector_load_idx %gather3A_416[%add3A_8, %add3A_398] : memref<128x128xf32, #tpu.memory_space<vmem>>[vector<16xi32>, vector<16xi32>], vector<16xf32>,
        %add3A_418 = arith.constant 2 : i32
        %add3A_419 = arith.addi %mul3A_175, %add3A_418 : i32
        %swap3A_420 = arith.constant 0 : i32
        %swap3A_421 = arith.index_cast %swap3A_420 : i32 to index
        %swap3A_422 = arith.index_cast %add3A_419 : i32 to index
        %swap3A_423 = arith.constant 16 : index
        %swap3A_424 = tpu.vector_load %arg7[%swap3A_421, %swap3A_422, %swap3A_423] {strides = array<i32>} : memref<2x64x128xf32, #tpu.memory_space<vmem>>, vector<16xf32>,
        tpu.vector_store %arg7[%swap3A_421, %swap3A_422, %swap3A_423], %gather3A_417 {strides = array<i32>} : memref<2x64x128xf32, #tpu.memory_space<vmem>>, vector<16xf32>,
        %gather3A_425 = arith.constant 0 : i32
        %gather3A_426 = arith.constant 0 : i32
        %gather3A_427 = arith.constant 0 : i32
        %gather3A_428 = tpu.memref_slice %arg6[%gather3A_425, %gather3A_426, %gather3A_427] : memref<2x128x128xf32, #tpu.memory_space<vmem>> -> memref<1x128x128xf32, #tpu.memory_space<vmem>>
        %gather3A_429 = tpu.memref_squeeze %gather3A_428 : memref<1x128x128xf32, #tpu.memory_space<vmem>> -> memref<128x128xf32, #tpu.memory_space<vmem>>
        %gather3A_430 = tpu.vector_load_idx %gather3A_429[%add3A_11, %add3A_398] : memref<128x128xf32, #tpu.memory_space<vmem>>[vector<16xi32>, vector<16xi32>], vector<16xf32>,
        %add3A_431 = arith.constant 2 : i32
        %add3A_432 = arith.addi %mul3A_175, %add3A_431 : i32
        %swap3A_433 = arith.constant 0 : i32
        %swap3A_434 = arith.index_cast %swap3A_433 : i32 to index
        %swap3A_435 = arith.index_cast %add3A_432 : i32 to index
        %swap3A_436 = arith.constant 32 : index
        %swap3A_437 = tpu.vector_load %arg7[%swap3A_434, %swap3A_435, %swap3A_436] {strides = array<i32>} : memref<2x64x128xf32, #tpu.memory_space<vmem>>, vector<16xf32>,
        tpu.vector_store %arg7[%swap3A_434, %swap3A_435, %swap3A_436], %gather3A_430 {strides = array<i32>} : memref<2x64x128xf32, #tpu.memory_space<vmem>>, vector<16xf32>,
        %gather3A_438 = arith.constant 0 : i32
        %gather3A_439 = arith.constant 0 : i32
        %gather3A_440 = arith.constant 0 : i32
        %gather3A_441 = tpu.memref_slice %arg6[%gather3A_438, %gather3A_439, %gather3A_440] : memref<2x128x128xf32, #tpu.memory_space<vmem>> -> memref<1x128x128xf32, #tpu.memory_space<vmem>>
        %gather3A_442 = tpu.memref_squeeze %gather3A_441 : memref<1x128x128xf32, #tpu.memory_space<vmem>> -> memref<128x128xf32, #tpu.memory_space<vmem>>
        %gather3A_443 = tpu.vector_load_idx %gather3A_442[%add3A_14, %add3A_398] : memref<128x128xf32, #tpu.memory_space<vmem>>[vector<16xi32>, vector<16xi32>], vector<16xf32>,
        %add3A_444 = arith.constant 2 : i32
        %add3A_445 = arith.addi %mul3A_175, %add3A_444 : i32
        %swap3A_446 = arith.constant 0 : i32
        %swap3A_447 = arith.index_cast %swap3A_446 : i32 to index
        %swap3A_448 = arith.index_cast %add3A_445 : i32 to index
        %swap3A_449 = arith.constant 48 : index
        %swap3A_450 = tpu.vector_load %arg7[%swap3A_447, %swap3A_448, %swap3A_449] {strides = array<i32>} : memref<2x64x128xf32, #tpu.memory_space<vmem>>, vector<16xf32>,
        tpu.vector_store %arg7[%swap3A_447, %swap3A_448, %swap3A_449], %gather3A_443 {strides = array<i32>} : memref<2x64x128xf32, #tpu.memory_space<vmem>>, vector<16xf32>,
        %gather3A_451 = arith.constant 0 : i32
        %gather3A_452 = arith.constant 0 : i32
        %gather3A_453 = arith.constant 0 : i32
        %gather3A_454 = tpu.memref_slice %arg6[%gather3A_451, %gather3A_452, %gather3A_453] : memref<2x128x128xf32, #tpu.memory_space<vmem>> -> memref<1x128x128xf32, #tpu.memory_space<vmem>>
        %gather3A_455 = tpu.memref_squeeze %gather3A_454 : memref<1x128x128xf32, #tpu.memory_space<vmem>> -> memref<128x128xf32, #tpu.memory_space<vmem>>
        %gather3A_456 = tpu.vector_load_idx %gather3A_455[%add3A_17, %add3A_398] : memref<128x128xf32, #tpu.memory_space<vmem>>[vector<16xi32>, vector<16xi32>], vector<16xf32>,
        %add3A_457 = arith.constant 2 : i32
        %add3A_458 = arith.addi %mul3A_175, %add3A_457 : i32
        %swap3A_459 = arith.constant 0 : i32
        %swap3A_460 = arith.index_cast %swap3A_459 : i32 to index
        %swap3A_461 = arith.index_cast %add3A_458 : i32 to index
        %swap3A_462 = arith.constant 64 : index
        %swap3A_463 = tpu.vector_load %arg7[%swap3A_460, %swap3A_461, %swap3A_462] {strides = array<i32>} : memref<2x64x128xf32, #tpu.memory_space<vmem>>, vector<16xf32>,
        tpu.vector_store %arg7[%swap3A_460, %swap3A_461, %swap3A_462], %gather3A_456 {strides = array<i32>} : memref<2x64x128xf32, #tpu.memory_space<vmem>>, vector<16xf32>,
        %gather3A_464 = arith.constant 0 : i32
        %gather3A_465 = arith.constant 0 : i32
        %gather3A_466 = arith.constant 0 : i32
        %gather3A_467 = tpu.memref_slice %arg6[%gather3A_464, %gather3A_465, %gather3A_466] : memref<2x128x128xf32, #tpu.memory_space<vmem>> -> memref<1x128x128xf32, #tpu.memory_space<vmem>>
        %gather3A_468 = tpu.memref_squeeze %gather3A_467 : memref<1x128x128xf32, #tpu.memory_space<vmem>> -> memref<128x128xf32, #tpu.memory_space<vmem>>
        %gather3A_469 = tpu.vector_load_idx %gather3A_468[%add3A_20, %add3A_398] : memref<128x128xf32, #tpu.memory_space<vmem>>[vector<16xi32>, vector<16xi32>], vector<16xf32>,
        %add3A_470 = arith.constant 2 : i32
        %add3A_471 = arith.addi %mul3A_175, %add3A_470 : i32
        %swap3A_472 = arith.constant 0 : i32
        %swap3A_473 = arith.index_cast %swap3A_472 : i32 to index
        %swap3A_474 = arith.index_cast %add3A_471 : i32 to index
        %swap3A_475 = arith.constant 80 : index
        %swap3A_476 = tpu.vector_load %arg7[%swap3A_473, %swap3A_474, %swap3A_475] {strides = array<i32>} : memref<2x64x128xf32, #tpu.memory_space<vmem>>, vector<16xf32>,
        tpu.vector_store %arg7[%swap3A_473, %swap3A_474, %swap3A_475], %gather3A_469 {strides = array<i32>} : memref<2x64x128xf32, #tpu.memory_space<vmem>>, vector<16xf32>,
        %gather3A_477 = arith.constant 0 : i32
        %gather3A_478 = arith.constant 0 : i32
        %gather3A_479 = arith.constant 0 : i32
        %gather3A_480 = tpu.memref_slice %arg6[%gather3A_477, %gather3A_478, %gather3A_479] : memref<2x128x128xf32, #tpu.memory_space<vmem>> -> memref<1x128x128xf32, #tpu.memory_space<vmem>>
        %gather3A_481 = tpu.memref_squeeze %gather3A_480 : memref<1x128x128xf32, #tpu.memory_space<vmem>> -> memref<128x128xf32, #tpu.memory_space<vmem>>
        %gather3A_482 = tpu.vector_load_idx %gather3A_481[%add3A_23, %add3A_398] : memref<128x128xf32, #tpu.memory_space<vmem>>[vector<16xi32>, vector<16xi32>], vector<16xf32>,
        %add3A_483 = arith.constant 2 : i32
        %add3A_484 = arith.addi %mul3A_175, %add3A_483 : i32
        %swap3A_485 = arith.constant 0 : i32
        %swap3A_486 = arith.index_cast %swap3A_485 : i32 to index
        %swap3A_487 = arith.index_cast %add3A_484 : i32 to index
        %swap3A_488 = arith.constant 96 : index
        %swap3A_489 = tpu.vector_load %arg7[%swap3A_486, %swap3A_487, %swap3A_488] {strides = array<i32>} : memref<2x64x128xf32, #tpu.memory_space<vmem>>, vector<16xf32>,
        tpu.vector_store %arg7[%swap3A_486, %swap3A_487, %swap3A_488], %gather3A_482 {strides = array<i32>} : memref<2x64x128xf32, #tpu.memory_space<vmem>>, vector<16xf32>,
        %gather3A_490 = arith.constant 0 : i32
        %gather3A_491 = arith.constant 0 : i32
        %gather3A_492 = arith.constant 0 : i32
        %gather3A_493 = tpu.memref_slice %arg6[%gather3A_490, %gather3A_491, %gather3A_492] : memref<2x128x128xf32, #tpu.memory_space<vmem>> -> memref<1x128x128xf32, #tpu.memory_space<vmem>>
        %gather3A_494 = tpu.memref_squeeze %gather3A_493 : memref<1x128x128xf32, #tpu.memory_space<vmem>> -> memref<128x128xf32, #tpu.memory_space<vmem>>
        %gather3A_495 = tpu.vector_load_idx %gather3A_494[%add3A_26, %add3A_398] : memref<128x128xf32, #tpu.memory_space<vmem>>[vector<16xi32>, vector<16xi32>], vector<16xf32>,
        %add3A_496 = arith.constant 2 : i32
        %add3A_497 = arith.addi %mul3A_175, %add3A_496 : i32
        %swap3A_498 = arith.constant 0 : i32
        %swap3A_499 = arith.index_cast %swap3A_498 : i32 to index
        %swap3A_500 = arith.index_cast %add3A_497 : i32 to index
        %swap3A_501 = arith.constant 112 : index
        %swap3A_502 = tpu.vector_load %arg7[%swap3A_499, %swap3A_500, %swap3A_501] {strides = array<i32>} : memref<2x64x128xf32, #tpu.memory_space<vmem>>, vector<16xf32>,
        tpu.vector_store %arg7[%swap3A_499, %swap3A_500, %swap3A_501], %gather3A_495 {strides = array<i32>} : memref<2x64x128xf32, #tpu.memory_space<vmem>>, vector<16xf32>,
        %broadcast_in_dim3A_503 = arith.constant 0 : i32
        %broadcast_in_dim3A_504 = vector.broadcast %broadcast_in_dim3A_503 : i32 to vector<16xi32>
        %add3A_505 = arith.constant 3 : i32
        %add3A_506 = arith.addi %mul3A_175, %add3A_505 : i32
        %add3A_507 = vector.broadcast %add3A_506 : i32 to vector<16xi32>
        %add3A_508 = arith.addi %broadcast_in_dim3A_504, %add3A_507 : vector<16xi32>
        %gather3A_509 = arith.constant 0 : i32
        %gather3A_510 = arith.constant 0 : i32
        %gather3A_511 = arith.constant 0 : i32
        %gather3A_512 = tpu.memref_slice %arg6[%gather3A_509, %gather3A_510, %gather3A_511] : memref<2x128x128xf32, #tpu.memory_space<vmem>> -> memref<1x128x128xf32, #tpu.memory_space<vmem>>
        %gather3A_513 = tpu.memref_squeeze %gather3A_512 : memref<1x128x128xf32, #tpu.memory_space<vmem>> -> memref<128x128xf32, #tpu.memory_space<vmem>>
        %gather3A_514 = tpu.vector_load_idx %gather3A_513[%add3A_5, %add3A_508] : memref<128x128xf32, #tpu.memory_space<vmem>>[vector<16xi32>, vector<16xi32>], vector<16xf32>,
        %add3A_515 = arith.constant 3 : i32
        %add3A_516 = arith.addi %mul3A_175, %add3A_515 : i32
        %swap3A_517 = arith.constant 0 : i32
        %swap3A_518 = arith.index_cast %swap3A_517 : i32 to index
        %swap3A_519 = arith.index_cast %add3A_516 : i32 to index
        %swap3A_520 = arith.constant 0 : index
        %swap3A_521 = tpu.vector_load %arg7[%swap3A_518, %swap3A_519, %swap3A_520] {strides = array<i32>} : memref<2x64x128xf32, #tpu.memory_space<vmem>>, vector<16xf32>,
        tpu.vector_store %arg7[%swap3A_518, %swap3A_519, %swap3A_520], %gather3A_514 {strides = array<i32>} : memref<2x64x128xf32, #tpu.memory_space<vmem>>, vector<16xf32>,
        %gather3A_522 = arith.constant 0 : i32
        %gather3A_523 = arith.constant 0 : i32
        %gather3A_524 = arith.constant 0 : i32
        %gather3A_525 = tpu.memref_slice %arg6[%gather3A_522, %gather3A_523, %gather3A_524] : memref<2x128x128xf32, #tpu.memory_space<vmem>> -> memref<1x128x128xf32, #tpu.memory_space<vmem>>
        %gather3A_526 = tpu.memref_squeeze %gather3A_525 : memref<1x128x128xf32, #tpu.memory_space<vmem>> -> memref<128x128xf32, #tpu.memory_space<vmem>>
        %gather3A_527 = tpu.vector_load_idx %gather3A_526[%add3A_8, %add3A_508] : memref<128x128xf32, #tpu.memory_space<vmem>>[vector<16xi32>, vector<16xi32>], vector<16xf32>,
        %add3A_528 = arith.constant 3 : i32
        %add3A_529 = arith.addi %mul3A_175, %add3A_528 : i32
        %swap3A_530 = arith.constant 0 : i32
        %swap3A_531 = arith.index_cast %swap3A_530 : i32 to index
        %swap3A_532 = arith.index_cast %add3A_529 : i32 to index
        %swap3A_533 = arith.constant 16 : index
        %swap3A_534 = tpu.vector_load %arg7[%swap3A_531, %swap3A_532, %swap3A_533] {strides = array<i32>} : memref<2x64x128xf32, #tpu.memory_space<vmem>>, vector<16xf32>,
        tpu.vector_store %arg7[%swap3A_531, %swap3A_532, %swap3A_533], %gather3A_527 {strides = array<i32>} : memref<2x64x128xf32, #tpu.memory_space<vmem>>, vector<16xf32>,
        %gather3A_535 = arith.constant 0 : i32
        %gather3A_536 = arith.constant 0 : i32
        %gather3A_537 = arith.constant 0 : i32
        %gather3A_538 = tpu.memref_slice %arg6[%gather3A_535, %gather3A_536, %gather3A_537] : memref<2x128x128xf32, #tpu.memory_space<vmem>> -> memref<1x128x128xf32, #tpu.memory_space<vmem>>
        %gather3A_539 = tpu.memref_squeeze %gather3A_538 : memref<1x128x128xf32, #tpu.memory_space<vmem>> -> memref<128x128xf32, #tpu.memory_space<vmem>>
        %gather3A_540 = tpu.vector_load_idx %gather3A_539[%add3A_11, %add3A_508] : memref<128x128xf32, #tpu.memory_space<vmem>>[vector<16xi32>, vector<16xi32>], vector<16xf32>,
        %add3A_541 = arith.constant 3 : i32
        %add3A_542 = arith.addi %mul3A_175, %add3A_541 : i32
        %swap3A_543 = arith.constant 0 : i32
        %swap3A_544 = arith.index_cast %swap3A_543 : i32 to index
        %swap3A_545 = arith.index_cast %add3A_542 : i32 to index
        %swap3A_546 = arith.constant 32 : index
        %swap3A_547 = tpu.vector_load %arg7[%swap3A_544, %swap3A_545, %swap3A_546] {strides = array<i32>} : memref<2x64x128xf32, #tpu.memory_space<vmem>>, vector<16xf32>,
        tpu.vector_store %arg7[%swap3A_544, %swap3A_545, %swap3A_546], %gather3A_540 {strides = array<i32>} : memref<2x64x128xf32, #tpu.memory_space<vmem>>, vector<16xf32>,
        %gather3A_548 = arith.constant 0 : i32
        %gather3A_549 = arith.constant 0 : i32
        %gather3A_550 = arith.constant 0 : i32
        %gather3A_551 = tpu.memref_slice %arg6[%gather3A_548, %gather3A_549, %gather3A_550] : memref<2x128x128xf32, #tpu.memory_space<vmem>> -> memref<1x128x128xf32, #tpu.memory_space<vmem>>
        %gather3A_552 = tpu.memref_squeeze %gather3A_551 : memref<1x128x128xf32, #tpu.memory_space<vmem>> -> memref<128x128xf32, #tpu.memory_space<vmem>>
        %gather3A_553 = tpu.vector_load_idx %gather3A_552[%add3A_14, %add3A_508] : memref<128x128xf32, #tpu.memory_space<vmem>>[vector<16xi32>, vector<16xi32>], vector<16xf32>,
        %add3A_554 = arith.constant 3 : i32
        %add3A_555 = arith.addi %mul3A_175, %add3A_554 : i32
        %swap3A_556 = arith.constant 0 : i32
        %swap3A_557 = arith.index_cast %swap3A_556 : i32 to index
        %swap3A_558 = arith.index_cast %add3A_555 : i32 to index
        %swap3A_559 = arith.constant 48 : index
        %swap3A_560 = tpu.vector_load %arg7[%swap3A_557, %swap3A_558, %swap3A_559] {strides = array<i32>} : memref<2x64x128xf32, #tpu.memory_space<vmem>>, vector<16xf32>,
        tpu.vector_store %arg7[%swap3A_557, %swap3A_558, %swap3A_559], %gather3A_553 {strides = array<i32>} : memref<2x64x128xf32, #tpu.memory_space<vmem>>, vector<16xf32>,
        %gather3A_561 = arith.constant 0 : i32
        %gather3A_562 = arith.constant 0 : i32
        %gather3A_563 = arith.constant 0 : i32
        %gather3A_564 = tpu.memref_slice %arg6[%gather3A_561, %gather3A_562, %gather3A_563] : memref<2x128x128xf32, #tpu.memory_space<vmem>> -> memref<1x128x128xf32, #tpu.memory_space<vmem>>
        %gather3A_565 = tpu.memref_squeeze %gather3A_564 : memref<1x128x128xf32, #tpu.memory_space<vmem>> -> memref<128x128xf32, #tpu.memory_space<vmem>>
        %gather3A_566 = tpu.vector_load_idx %gather3A_565[%add3A_17, %add3A_508] : memref<128x128xf32, #tpu.memory_space<vmem>>[vector<16xi32>, vector<16xi32>], vector<16xf32>,
        %add3A_567 = arith.constant 3 : i32
        %add3A_568 = arith.addi %mul3A_175, %add3A_567 : i32
        %swap3A_569 = arith.constant 0 : i32
        %swap3A_570 = arith.index_cast %swap3A_569 : i32 to index
        %swap3A_571 = arith.index_cast %add3A_568 : i32 to index
        %swap3A_572 = arith.constant 64 : index
        %swap3A_573 = tpu.vector_load %arg7[%swap3A_570, %swap3A_571, %swap3A_572] {strides = array<i32>} : memref<2x64x128xf32, #tpu.memory_space<vmem>>, vector<16xf32>,
        tpu.vector_store %arg7[%swap3A_570, %swap3A_571, %swap3A_572], %gather3A_566 {strides = array<i32>} : memref<2x64x128xf32, #tpu.memory_space<vmem>>, vector<16xf32>,
        %gather3A_574 = arith.constant 0 : i32
        %gather3A_575 = arith.constant 0 : i32
        %gather3A_576 = arith.constant 0 : i32
        %gather3A_577 = tpu.memref_slice %arg6[%gather3A_574, %gather3A_575, %gather3A_576] : memref<2x128x128xf32, #tpu.memory_space<vmem>> -> memref<1x128x128xf32, #tpu.memory_space<vmem>>
        %gather3A_578 = tpu.memref_squeeze %gather3A_577 : memref<1x128x128xf32, #tpu.memory_space<vmem>> -> memref<128x128xf32, #tpu.memory_space<vmem>>
        %gather3A_579 = tpu.vector_load_idx %gather3A_578[%add3A_20, %add3A_508] : memref<128x128xf32, #tpu.memory_space<vmem>>[vector<16xi32>, vector<16xi32>], vector<16xf32>,
        %add3A_580 = arith.constant 3 : i32
        %add3A_581 = arith.addi %mul3A_175, %add3A_580 : i32
        %swap3A_582 = arith.constant 0 : i32
        %swap3A_583 = arith.index_cast %swap3A_582 : i32 to index
        %swap3A_584 = arith.index_cast %add3A_581 : i32 to index
        %swap3A_585 = arith.constant 80 : index
        %swap3A_586 = tpu.vector_load %arg7[%swap3A_583, %swap3A_584, %swap3A_585] {strides = array<i32>} : memref<2x64x128xf32, #tpu.memory_space<vmem>>, vector<16xf32>,
        tpu.vector_store %arg7[%swap3A_583, %swap3A_584, %swap3A_585], %gather3A_579 {strides = array<i32>} : memref<2x64x128xf32, #tpu.memory_space<vmem>>, vector<16xf32>,
        %gather3A_587 = arith.constant 0 : i32
        %gather3A_588 = arith.constant 0 : i32
        %gather3A_589 = arith.constant 0 : i32
        %gather3A_590 = tpu.memref_slice %arg6[%gather3A_587, %gather3A_588, %gather3A_589] : memref<2x128x128xf32, #tpu.memory_space<vmem>> -> memref<1x128x128xf32, #tpu.memory_space<vmem>>
        %gather3A_591 = tpu.memref_squeeze %gather3A_590 : memref<1x128x128xf32, #tpu.memory_space<vmem>> -> memref<128x128xf32, #tpu.memory_space<vmem>>
        %gather3A_592 = tpu.vector_load_idx %gather3A_591[%add3A_23, %add3A_508] : memref<128x128xf32, #tpu.memory_space<vmem>>[vector<16xi32>, vector<16xi32>], vector<16xf32>,
        %add3A_593 = arith.constant 3 : i32
        %add3A_594 = arith.addi %mul3A_175, %add3A_593 : i32
        %swap3A_595 = arith.constant 0 : i32
        %swap3A_596 = arith.index_cast %swap3A_595 : i32 to index
        %swap3A_597 = arith.index_cast %add3A_594 : i32 to index
        %swap3A_598 = arith.constant 96 : index
        %swap3A_599 = tpu.vector_load %arg7[%swap3A_596, %swap3A_597, %swap3A_598] {strides = array<i32>} : memref<2x64x128xf32, #tpu.memory_space<vmem>>, vector<16xf32>,
        tpu.vector_store %arg7[%swap3A_596, %swap3A_597, %swap3A_598], %gather3A_592 {strides = array<i32>} : memref<2x64x128xf32, #tpu.memory_space<vmem>>, vector<16xf32>,
        %gather3A_600 = arith.constant 0 : i32
        %gather3A_601 = arith.constant 0 : i32
        %gather3A_602 = arith.constant 0 : i32
        %gather3A_603 = tpu.memref_slice %arg6[%gather3A_600, %gather3A_601, %gather3A_602] : memref<2x128x128xf32, #tpu.memory_space<vmem>> -> memref<1x128x128xf32, #tpu.memory_space<vmem>>
        %gather3A_604 = tpu.memref_squeeze %gather3A_603 : memref<1x128x128xf32, #tpu.memory_space<vmem>> -> memref<128x128xf32, #tpu.memory_space<vmem>>
        %gather3A_605 = tpu.vector_load_idx %gather3A_604[%add3A_26, %add3A_508] : memref<128x128xf32, #tpu.memory_space<vmem>>[vector<16xi32>, vector<16xi32>], vector<16xf32>,
        %add3A_606 = arith.constant 3 : i32
        %add3A_607 = arith.addi %mul3A_175, %add3A_606 : i32
        %swap3A_608 = arith.constant 0 : i32
        %swap3A_609 = arith.index_cast %swap3A_608 : i32 to index
        %swap3A_610 = arith.index_cast %add3A_607 : i32 to index
        %swap3A_611 = arith.constant 112 : index
        %swap3A_612 = tpu.vector_load %arg7[%swap3A_609, %swap3A_610, %swap3A_611] {strides = array<i32>} : memref<2x64x128xf32, #tpu.memory_space<vmem>>, vector<16xf32>,
        tpu.vector_store %arg7[%swap3A_609, %swap3A_610, %swap3A_611], %gather3A_605 {strides = array<i32>} : memref<2x64x128xf32, #tpu.memory_space<vmem>>, vector<16xf32>,
      }
      %scan3A_105 = arith.constant 16 : i32
      %dma_start3A_106 = arith.constant 0 : i32
      %dma_start3A_107 = arith.constant 0 : i32
      %dma_start3A_108 = arith.constant 0 : i32
      %dma_start3A_109 = tpu.memref_slice %arg7[%dma_start3A_106, %dma_start3A_107, %dma_start3A_108] : memref<2x64x128xf32, #tpu.memory_space<vmem>> -> memref<1x64x128xf32, #tpu.memory_space<vmem>>
      %dma_start3A_110 = tpu.memref_squeeze %dma_start3A_109 : memref<1x64x128xf32, #tpu.memory_space<vmem>> -> memref<64x128xf32, #tpu.memory_space<vmem>>
      %dma_start3A_111 = arith.constant 0 : i32
      %dma_start3A_112 = tpu.memref_slice %arg4[%add3A_76, %dma_start3A_111, %mul3A_2] : memref<200x64x4096xf32, #tpu.memory_space<hbm>> -> memref<1x64x128xf32, #tpu.memory_space<hbm>>
      %dma_start3A_113 = tpu.memref_squeeze %dma_start3A_112 : memref<1x64x128xf32, #tpu.memory_space<hbm>> -> memref<64x128xf32, #tpu.memory_space<hbm>>
      %dma_start3A_114 = arith.constant 0 : i32
      %dma_start3A_115 = tpu.memref_slice %arg4[%add3A_76, %dma_start3A_114, %mul3A_2] : memref<200x64x4096xf32, #tpu.memory_space<hbm>> -> memref<1x64x128xf32, #tpu.memory_space<hbm>>
      %dma_start3A_116 = tpu.memref_squeeze %dma_start3A_115 : memref<1x64x128xf32, #tpu.memory_space<hbm>> -> memref<64x128xf32, #tpu.memory_space<hbm>>
      %dma_start3A_117 = arith.constant 0 : i32
      %dma_start3A_118 = arith.constant 0 : i32
      %dma_start3A_119 = tpu.memref_slice %arg7[%dma_start3A_106, %dma_start3A_117, %dma_start3A_118] : memref<2x64x128xf32, #tpu.memory_space<vmem>> -> memref<1x64x128xf32, #tpu.memory_space<vmem>>
      %dma_start3A_120 = tpu.memref_squeeze %dma_start3A_119 : memref<1x64x128xf32, #tpu.memory_space<vmem>> -> memref<64x128xf32, #tpu.memory_space<vmem>>
      tpu.enqueue_dma source(%dma_start3A_120 : memref<64x128xf32, #tpu.memory_space<vmem>>) target(%dma_start3A_116 : memref<64x128xf32, #tpu.memory_space<hbm>>) target_semaphore(%arg10 : memref<!tpu.dma_semaphore, #tpu.memory_space<semaphore_mem>>)
      %mul3A_121 = arith.constant 2 : i32
      %mul3A_122 = arith.muli %mul3A_121, %scan3A_72 : i32
      %add3A_123 = arith.constant 1 : i32
      %add3A_124 = arith.addi %mul3A_122, %add3A_123 : i32
      %add3A_125 = arith.constant 1 : i32
      %add3A_126 = arith.addi %add3A_124, %add3A_125 : i32
      %lt3A_127 = arith.constant 200 : i32
      %lt3A_128 = arith.cmpi slt, %add3A_126, %lt3A_127 : i32
      %convert_element_type3A_129 = arith.extui %lt3A_128 : i1 to i32
      %cond3A_130 = arith.constant 0 : i32
      %cond3A_131 = arith.cmpi ne, %convert_element_type3A_129, %cond3A_130 : i32
      scf.if %cond3A_131 {
        %dma_start3A_173 = arith.constant 0 : i32
        %dma_start3A_174 = arith.constant 0 : i32
        %dma_start3A_175 = arith.constant 0 : i32
        %dma_start3A_176 = tpu.memref_slice %arg6[%dma_start3A_173, %dma_start3A_174, %dma_start3A_175] : memref<2x128x128xf32, #tpu.memory_space<vmem>> -> memref<1x128x128xf32, #tpu.memory_space<vmem>>
        %dma_start3A_177 = tpu.memref_squeeze %dma_start3A_176 : memref<1x128x128xf32, #tpu.memory_space<vmem>> -> memref<128x128xf32, #tpu.memory_space<vmem>>
        %dma_start3A_178 = arith.constant 0 : i32
        %dma_start3A_179 = tpu.memref_slice %arg5[%add3A_126, %dma_start3A_178] : memref<200x128xi32, #tpu.memory_space<vmem>> -> memref<1x128xi32, #tpu.memory_space<vmem>>
        %dma_start3A_180 = tpu.memref_squeeze %dma_start3A_179 : memref<1x128xi32, #tpu.memory_space<vmem>> -> memref<128xi32, #tpu.memory_space<vmem>>
        %dma_start3A_181 = arith.constant 0 : i32
        %dma_start3A_182 = arith.constant 0 : i32
        %dma_start3A_183 = tpu.memref_slice %arg3[%dma_start3A_181, %dma_start3A_182] : memref<1000000x128xf32, #tpu.memory_space<hbm>> -> memref<1000000x128xf32, #tpu.memory_space<hbm>>
        tpu.enqueue_indirect_dma source(%dma_start3A_183 : memref<1000000x128xf32, #tpu.memory_space<hbm>>) target(%dma_start3A_177 : memref<128x128xf32, #tpu.memory_space<vmem>>) offsets(%dma_start3A_180 : memref<128xi32, #tpu.memory_space<vmem>>) semaphore(%arg8 : memref<!tpu.dma_semaphore, #tpu.memory_space<semaphore_mem>>)
      } else {
      }
      %dma_wait3A_132 = arith.constant 1 : i32
      %dma_wait3A_133 = arith.constant 0 : i32
      %dma_wait3A_134 = arith.constant 0 : i32
      %dma_wait3A_135 = tpu.memref_slice %arg6[%dma_wait3A_132, %dma_wait3A_133, %dma_wait3A_134] : memref<2x128x128xf32, #tpu.memory_space<vmem>> -> memref<1x128x128xf32, #tpu.memory_space<vmem>>
      %dma_wait3A_136 = tpu.memref_squeeze %dma_wait3A_135 : memref<1x128x128xf32, #tpu.memory_space<vmem>> -> memref<128x128xf32, #tpu.memory_space<vmem>>
      %dma_wait3A_137 = arith.constant 0 : i32
      %dma_wait3A_138 = arith.constant 0 : i32
      %dma_wait3A_139 = tpu.memref_slice %arg3[%dma_wait3A_137, %dma_wait3A_138] : memref<1000000x128xf32, #tpu.memory_space<hbm>> -> memref<128x128xf32, #tpu.memory_space<hbm>>
      %dma_wait3A_140 = arith.constant 0 : i32
      %dma_wait3A_141 = arith.constant 0 : i32
      %dma_wait3A_142 = tpu.memref_slice %arg6[%dma_wait3A_132, %dma_wait3A_140, %dma_wait3A_141] : memref<2x128x128xf32, #tpu.memory_space<vmem>> -> memref<1x128x128xf32, #tpu.memory_space<vmem>>
      %dma_wait3A_143 = tpu.memref_squeeze %dma_wait3A_142 : memref<1x128x128xf32, #tpu.memory_space<vmem>> -> memref<128x128xf32, #tpu.memory_space<vmem>>
      %dma_wait3A_144 = arith.constant 0 : i32
      %dma_wait3A_145 = arith.constant 0 : i32
      %dma_wait3A_146 = tpu.memref_slice %arg3[%dma_wait3A_144, %dma_wait3A_145] : memref<1000000x128xf32, #tpu.memory_space<hbm>> -> memref<128x128xf32, #tpu.memory_space<hbm>>
      tpu.wait_dma2 semaphore(%arg9 : memref<!tpu.dma_semaphore, #tpu.memory_space<semaphore_mem>>) src(%dma_wait3A_146 : memref<128x128xf32, #tpu.memory_space<hbm>>) dst(%dma_wait3A_143 : memref<128x128xf32, #tpu.memory_space<vmem>>)
      %ge3A_147 = arith.constant 2 : i32
      %ge3A_148 = arith.cmpi sge, %add3A_124, %ge3A_147 : i32
      %convert_element_type3A_149 = arith.extui %ge3A_148 : i1 to i32
      %cond3A_150 = arith.constant 0 : i32
      %cond3A_151 = arith.cmpi ne, %convert_element_type3A_149, %cond3A_150 : i32
      scf.if %cond3A_151 {
        %dma_wait3A_173 = arith.constant 1 : i32
        %dma_wait3A_174 = arith.constant 0 : i32
        %dma_wait3A_175 = arith.constant 0 : i32
        %dma_wait3A_176 = tpu.memref_slice %arg7[%dma_wait3A_173, %dma_wait3A_174, %dma_wait3A_175] : memref<2x64x128xf32, #tpu.memory_space<vmem>> -> memref<1x64x128xf32, #tpu.memory_space<vmem>>
        %dma_wait3A_177 = tpu.memref_squeeze %dma_wait3A_176 : memref<1x64x128xf32, #tpu.memory_space<vmem>> -> memref<64x128xf32, #tpu.memory_space<vmem>>
        %dma_wait3A_178 = arith.constant 0 : i32
        %dma_wait3A_179 = arith.constant 0 : i32
        %dma_wait3A_180 = tpu.memref_slice %arg3[%dma_wait3A_178, %dma_wait3A_179] : memref<1000000x128xf32, #tpu.memory_space<hbm>> -> memref<64x128xf32, #tpu.memory_space<hbm>>
        %dma_wait3A_181 = arith.constant 0 : i32
        %dma_wait3A_182 = arith.constant 0 : i32
        %dma_wait3A_183 = tpu.memref_slice %arg7[%dma_wait3A_173, %dma_wait3A_181, %dma_wait3A_182] : memref<2x64x128xf32, #tpu.memory_space<vmem>> -> memref<1x64x128xf32, #tpu.memory_space<vmem>>
        %dma_wait3A_184 = tpu.memref_squeeze %dma_wait3A_183 : memref<1x64x128xf32, #tpu.memory_space<vmem>> -> memref<64x128xf32, #tpu.memory_space<vmem>>
        %dma_wait3A_185 = arith.constant 0 : i32
        %dma_wait3A_186 = arith.constant 0 : i32
        %dma_wait3A_187 = tpu.memref_slice %arg3[%dma_wait3A_185, %dma_wait3A_186] : memref<1000000x128xf32, #tpu.memory_space<hbm>> -> memref<64x128xf32, #tpu.memory_space<hbm>>
        tpu.wait_dma2 semaphore(%arg11 : memref<!tpu.dma_semaphore, #tpu.memory_space<semaphore_mem>>) src(%dma_wait3A_187 : memref<64x128xf32, #tpu.memory_space<hbm>>) dst(%dma_wait3A_184 : memref<64x128xf32, #tpu.memory_space<vmem>>)
      } else {
      }
      %scan3A_152 = arith.constant 0 : i32
      %scan3A_153 = arith.constant 0 : i32
      %scan3A_154 = arith.constant 16 : i32
      %scan3A_155 = arith.addi %scan3A_153, %scan3A_154 : i32
      %scan3A_156 = arith.constant 1 : i32
      scf.for %scan3A_173 = %scan3A_153 to %scan3A_155 step %scan3A_156  : i32 {
        %mul3A_174 = arith.constant 4 : i32
        %mul3A_175 = arith.muli %scan3A_173, %mul3A_174 : i32
        %broadcast_in_dim3A = arith.constant 0 : i32
        %broadcast_in_dim3A_176 = vector.broadcast %broadcast_in_dim3A : i32 to vector<16xi32>
        %add3A_177 = arith.constant 0 : i32
        %add3A_178 = arith.addi %mul3A_175, %add3A_177 : i32
        %add3A_179 = vector.broadcast %add3A_178 : i32 to vector<16xi32>
        %add3A_180 = arith.addi %broadcast_in_dim3A_176, %add3A_179 : vector<16xi32>
        %gather3A = arith.constant 1 : i32
        %gather3A_181 = arith.constant 0 : i32
        %gather3A_182 = arith.constant 0 : i32
        %gather3A_183 = tpu.memref_slice %arg6[%gather3A, %gather3A_181, %gather3A_182] : memref<2x128x128xf32, #tpu.memory_space<vmem>> -> memref<1x128x128xf32, #tpu.memory_space<vmem>>
        %gather3A_184 = tpu.memref_squeeze %gather3A_183 : memref<1x128x128xf32, #tpu.memory_space<vmem>> -> memref<128x128xf32, #tpu.memory_space<vmem>>
        %gather3A_185 = tpu.vector_load_idx %gather3A_184[%add3A_5, %add3A_180] : memref<128x128xf32, #tpu.memory_space<vmem>>[vector<16xi32>, vector<16xi32>], vector<16xf32>,
        %add3A_186 = arith.constant 0 : i32
        %add3A_187 = arith.addi %mul3A_175, %add3A_186 : i32
        %swap3A = arith.constant 1 : i32
        %swap3A_188 = arith.index_cast %swap3A : i32 to index
        %swap3A_189 = arith.index_cast %add3A_187 : i32 to index
        %swap3A_190 = arith.constant 0 : index
        %swap3A_191 = tpu.vector_load %arg7[%swap3A_188, %swap3A_189, %swap3A_190] {strides = array<i32>} : memref<2x64x128xf32, #tpu.memory_space<vmem>>, vector<16xf32>,
        tpu.vector_store %arg7[%swap3A_188, %swap3A_189, %swap3A_190], %gather3A_185 {strides = array<i32>} : memref<2x64x128xf32, #tpu.memory_space<vmem>>, vector<16xf32>,
        %gather3A_192 = arith.constant 1 : i32
        %gather3A_193 = arith.constant 0 : i32
        %gather3A_194 = arith.constant 0 : i32
        %gather3A_195 = tpu.memref_slice %arg6[%gather3A_192, %gather3A_193, %gather3A_194] : memref<2x128x128xf32, #tpu.memory_space<vmem>> -> memref<1x128x128xf32, #tpu.memory_space<vmem>>
        %gather3A_196 = tpu.memref_squeeze %gather3A_195 : memref<1x128x128xf32, #tpu.memory_space<vmem>> -> memref<128x128xf32, #tpu.memory_space<vmem>>
        %gather3A_197 = tpu.vector_load_idx %gather3A_196[%add3A_8, %add3A_180] : memref<128x128xf32, #tpu.memory_space<vmem>>[vector<16xi32>, vector<16xi32>], vector<16xf32>,
        %add3A_198 = arith.constant 0 : i32
        %add3A_199 = arith.addi %mul3A_175, %add3A_198 : i32
        %swap3A_200 = arith.constant 1 : i32
        %swap3A_201 = arith.index_cast %swap3A_200 : i32 to index
        %swap3A_202 = arith.index_cast %add3A_199 : i32 to index
        %swap3A_203 = arith.constant 16 : index
        %swap3A_204 = tpu.vector_load %arg7[%swap3A_201, %swap3A_202, %swap3A_203] {strides = array<i32>} : memref<2x64x128xf32, #tpu.memory_space<vmem>>, vector<16xf32>,
        tpu.vector_store %arg7[%swap3A_201, %swap3A_202, %swap3A_203], %gather3A_197 {strides = array<i32>} : memref<2x64x128xf32, #tpu.memory_space<vmem>>, vector<16xf32>,
        %gather3A_205 = arith.constant 1 : i32
        %gather3A_206 = arith.constant 0 : i32
        %gather3A_207 = arith.constant 0 : i32
        %gather3A_208 = tpu.memref_slice %arg6[%gather3A_205, %gather3A_206, %gather3A_207] : memref<2x128x128xf32, #tpu.memory_space<vmem>> -> memref<1x128x128xf32, #tpu.memory_space<vmem>>
        %gather3A_209 = tpu.memref_squeeze %gather3A_208 : memref<1x128x128xf32, #tpu.memory_space<vmem>> -> memref<128x128xf32, #tpu.memory_space<vmem>>
        %gather3A_210 = tpu.vector_load_idx %gather3A_209[%add3A_11, %add3A_180] : memref<128x128xf32, #tpu.memory_space<vmem>>[vector<16xi32>, vector<16xi32>], vector<16xf32>,
        %add3A_211 = arith.constant 0 : i32
        %add3A_212 = arith.addi %mul3A_175, %add3A_211 : i32
        %swap3A_213 = arith.constant 1 : i32
        %swap3A_214 = arith.index_cast %swap3A_213 : i32 to index
        %swap3A_215 = arith.index_cast %add3A_212 : i32 to index
        %swap3A_216 = arith.constant 32 : index
        %swap3A_217 = tpu.vector_load %arg7[%swap3A_214, %swap3A_215, %swap3A_216] {strides = array<i32>} : memref<2x64x128xf32, #tpu.memory_space<vmem>>, vector<16xf32>,
        tpu.vector_store %arg7[%swap3A_214, %swap3A_215, %swap3A_216], %gather3A_210 {strides = array<i32>} : memref<2x64x128xf32, #tpu.memory_space<vmem>>, vector<16xf32>,
        %gather3A_218 = arith.constant 1 : i32
        %gather3A_219 = arith.constant 0 : i32
        %gather3A_220 = arith.constant 0 : i32
        %gather3A_221 = tpu.memref_slice %arg6[%gather3A_218, %gather3A_219, %gather3A_220] : memref<2x128x128xf32, #tpu.memory_space<vmem>> -> memref<1x128x128xf32, #tpu.memory_space<vmem>>
        %gather3A_222 = tpu.memref_squeeze %gather3A_221 : memref<1x128x128xf32, #tpu.memory_space<vmem>> -> memref<128x128xf32, #tpu.memory_space<vmem>>
        %gather3A_223 = tpu.vector_load_idx %gather3A_222[%add3A_14, %add3A_180] : memref<128x128xf32, #tpu.memory_space<vmem>>[vector<16xi32>, vector<16xi32>], vector<16xf32>,
        %add3A_224 = arith.constant 0 : i32
        %add3A_225 = arith.addi %mul3A_175, %add3A_224 : i32
        %swap3A_226 = arith.constant 1 : i32
        %swap3A_227 = arith.index_cast %swap3A_226 : i32 to index
        %swap3A_228 = arith.index_cast %add3A_225 : i32 to index
        %swap3A_229 = arith.constant 48 : index
        %swap3A_230 = tpu.vector_load %arg7[%swap3A_227, %swap3A_228, %swap3A_229] {strides = array<i32>} : memref<2x64x128xf32, #tpu.memory_space<vmem>>, vector<16xf32>,
        tpu.vector_store %arg7[%swap3A_227, %swap3A_228, %swap3A_229], %gather3A_223 {strides = array<i32>} : memref<2x64x128xf32, #tpu.memory_space<vmem>>, vector<16xf32>,
        %gather3A_231 = arith.constant 1 : i32
        %gather3A_232 = arith.constant 0 : i32
        %gather3A_233 = arith.constant 0 : i32
        %gather3A_234 = tpu.memref_slice %arg6[%gather3A_231, %gather3A_232, %gather3A_233] : memref<2x128x128xf32, #tpu.memory_space<vmem>> -> memref<1x128x128xf32, #tpu.memory_space<vmem>>
        %gather3A_235 = tpu.memref_squeeze %gather3A_234 : memref<1x128x128xf32, #tpu.memory_space<vmem>> -> memref<128x128xf32, #tpu.memory_space<vmem>>
        %gather3A_236 = tpu.vector_load_idx %gather3A_235[%add3A_17, %add3A_180] : memref<128x128xf32, #tpu.memory_space<vmem>>[vector<16xi32>, vector<16xi32>], vector<16xf32>,
        %add3A_237 = arith.constant 0 : i32
        %add3A_238 = arith.addi %mul3A_175, %add3A_237 : i32
        %swap3A_239 = arith.constant 1 : i32
        %swap3A_240 = arith.index_cast %swap3A_239 : i32 to index
        %swap3A_241 = arith.index_cast %add3A_238 : i32 to index
        %swap3A_242 = arith.constant 64 : index
        %swap3A_243 = tpu.vector_load %arg7[%swap3A_240, %swap3A_241, %swap3A_242] {strides = array<i32>} : memref<2x64x128xf32, #tpu.memory_space<vmem>>, vector<16xf32>,
        tpu.vector_store %arg7[%swap3A_240, %swap3A_241, %swap3A_242], %gather3A_236 {strides = array<i32>} : memref<2x64x128xf32, #tpu.memory_space<vmem>>, vector<16xf32>,
        %gather3A_244 = arith.constant 1 : i32
        %gather3A_245 = arith.constant 0 : i32
        %gather3A_246 = arith.constant 0 : i32
        %gather3A_247 = tpu.memref_slice %arg6[%gather3A_244, %gather3A_245, %gather3A_246] : memref<2x128x128xf32, #tpu.memory_space<vmem>> -> memref<1x128x128xf32, #tpu.memory_space<vmem>>
        %gather3A_248 = tpu.memref_squeeze %gather3A_247 : memref<1x128x128xf32, #tpu.memory_space<vmem>> -> memref<128x128xf32, #tpu.memory_space<vmem>>
        %gather3A_249 = tpu.vector_load_idx %gather3A_248[%add3A_20, %add3A_180] : memref<128x128xf32, #tpu.memory_space<vmem>>[vector<16xi32>, vector<16xi32>], vector<16xf32>,
        %add3A_250 = arith.constant 0 : i32
        %add3A_251 = arith.addi %mul3A_175, %add3A_250 : i32
        %swap3A_252 = arith.constant 1 : i32
        %swap3A_253 = arith.index_cast %swap3A_252 : i32 to index
        %swap3A_254 = arith.index_cast %add3A_251 : i32 to index
        %swap3A_255 = arith.constant 80 : index
        %swap3A_256 = tpu.vector_load %arg7[%swap3A_253, %swap3A_254, %swap3A_255] {strides = array<i32>} : memref<2x64x128xf32, #tpu.memory_space<vmem>>, vector<16xf32>,
        tpu.vector_store %arg7[%swap3A_253, %swap3A_254, %swap3A_255], %gather3A_249 {strides = array<i32>} : memref<2x64x128xf32, #tpu.memory_space<vmem>>, vector<16xf32>,
        %gather3A_257 = arith.constant 1 : i32
        %gather3A_258 = arith.constant 0 : i32
        %gather3A_259 = arith.constant 0 : i32
        %gather3A_260 = tpu.memref_slice %arg6[%gather3A_257, %gather3A_258, %gather3A_259] : memref<2x128x128xf32, #tpu.memory_space<vmem>> -> memref<1x128x128xf32, #tpu.memory_space<vmem>>
        %gather3A_261 = tpu.memref_squeeze %gather3A_260 : memref<1x128x128xf32, #tpu.memory_space<vmem>> -> memref<128x128xf32, #tpu.memory_space<vmem>>
        %gather3A_262 = tpu.vector_load_idx %gather3A_261[%add3A_23, %add3A_180] : memref<128x128xf32, #tpu.memory_space<vmem>>[vector<16xi32>, vector<16xi32>], vector<16xf32>,
        %add3A_263 = arith.constant 0 : i32
        %add3A_264 = arith.addi %mul3A_175, %add3A_263 : i32
        %swap3A_265 = arith.constant 1 : i32
        %swap3A_266 = arith.index_cast %swap3A_265 : i32 to index
        %swap3A_267 = arith.index_cast %add3A_264 : i32 to index
        %swap3A_268 = arith.constant 96 : index
        %swap3A_269 = tpu.vector_load %arg7[%swap3A_266, %swap3A_267, %swap3A_268] {strides = array<i32>} : memref<2x64x128xf32, #tpu.memory_space<vmem>>, vector<16xf32>,
        tpu.vector_store %arg7[%swap3A_266, %swap3A_267, %swap3A_268], %gather3A_262 {strides = array<i32>} : memref<2x64x128xf32, #tpu.memory_space<vmem>>, vector<16xf32>,
        %gather3A_270 = arith.constant 1 : i32
        %gather3A_271 = arith.constant 0 : i32
        %gather3A_272 = arith.constant 0 : i32
        %gather3A_273 = tpu.memref_slice %arg6[%gather3A_270, %gather3A_271, %gather3A_272] : memref<2x128x128xf32, #tpu.memory_space<vmem>> -> memref<1x128x128xf32, #tpu.memory_space<vmem>>
        %gather3A_274 = tpu.memref_squeeze %gather3A_273 : memref<1x128x128xf32, #tpu.memory_space<vmem>> -> memref<128x128xf32, #tpu.memory_space<vmem>>
        %gather3A_275 = tpu.vector_load_idx %gather3A_274[%add3A_26, %add3A_180] : memref<128x128xf32, #tpu.memory_space<vmem>>[vector<16xi32>, vector<16xi32>], vector<16xf32>,
        %add3A_276 = arith.constant 0 : i32
        %add3A_277 = arith.addi %mul3A_175, %add3A_276 : i32
        %swap3A_278 = arith.constant 1 : i32
        %swap3A_279 = arith.index_cast %swap3A_278 : i32 to index
        %swap3A_280 = arith.index_cast %add3A_277 : i32 to index
        %swap3A_281 = arith.constant 112 : index
        %swap3A_282 = tpu.vector_load %arg7[%swap3A_279, %swap3A_280, %swap3A_281] {strides = array<i32>} : memref<2x64x128xf32, #tpu.memory_space<vmem>>, vector<16xf32>,
        tpu.vector_store %arg7[%swap3A_279, %swap3A_280, %swap3A_281], %gather3A_275 {strides = array<i32>} : memref<2x64x128xf32, #tpu.memory_space<vmem>>, vector<16xf32>,
        %broadcast_in_dim3A_283 = arith.constant 0 : i32
        %broadcast_in_dim3A_284 = vector.broadcast %broadcast_in_dim3A_283 : i32 to vector<16xi32>
        %add3A_285 = arith.constant 1 : i32
        %add3A_286 = arith.addi %mul3A_175, %add3A_285 : i32
        %add3A_287 = vector.broadcast %add3A_286 : i32 to vector<16xi32>
        %add3A_288 = arith.addi %broadcast_in_dim3A_284, %add3A_287 : vector<16xi32>
        %gather3A_289 = arith.constant 1 : i32
        %gather3A_290 = arith.constant 0 : i32
        %gather3A_291 = arith.constant 0 : i32
        %gather3A_292 = tpu.memref_slice %arg6[%gather3A_289, %gather3A_290, %gather3A_291] : memref<2x128x128xf32, #tpu.memory_space<vmem>> -> memref<1x128x128xf32, #tpu.memory_space<vmem>>
        %gather3A_293 = tpu.memref_squeeze %gather3A_292 : memref<1x128x128xf32, #tpu.memory_space<vmem>> -> memref<128x128xf32, #tpu.memory_space<vmem>>
        %gather3A_294 = tpu.vector_load_idx %gather3A_293[%add3A_5, %add3A_288] : memref<128x128xf32, #tpu.memory_space<vmem>>[vector<16xi32>, vector<16xi32>], vector<16xf32>,
        %add3A_295 = arith.constant 1 : i32
        %add3A_296 = arith.addi %mul3A_175, %add3A_295 : i32
        %swap3A_297 = arith.constant 1 : i32
        %swap3A_298 = arith.index_cast %swap3A_297 : i32 to index
        %swap3A_299 = arith.index_cast %add3A_296 : i32 to index
        %swap3A_300 = arith.constant 0 : index
        %swap3A_301 = tpu.vector_load %arg7[%swap3A_298, %swap3A_299, %swap3A_300] {strides = array<i32>} : memref<2x64x128xf32, #tpu.memory_space<vmem>>, vector<16xf32>,
        tpu.vector_store %arg7[%swap3A_298, %swap3A_299, %swap3A_300], %gather3A_294 {strides = array<i32>} : memref<2x64x128xf32, #tpu.memory_space<vmem>>, vector<16xf32>,
        %gather3A_302 = arith.constant 1 : i32
        %gather3A_303 = arith.constant 0 : i32
        %gather3A_304 = arith.constant 0 : i32
        %gather3A_305 = tpu.memref_slice %arg6[%gather3A_302, %gather3A_303, %gather3A_304] : memref<2x128x128xf32, #tpu.memory_space<vmem>> -> memref<1x128x128xf32, #tpu.memory_space<vmem>>
        %gather3A_306 = tpu.memref_squeeze %gather3A_305 : memref<1x128x128xf32, #tpu.memory_space<vmem>> -> memref<128x128xf32, #tpu.memory_space<vmem>>
        %gather3A_307 = tpu.vector_load_idx %gather3A_306[%add3A_8, %add3A_288] : memref<128x128xf32, #tpu.memory_space<vmem>>[vector<16xi32>, vector<16xi32>], vector<16xf32>,
        %add3A_308 = arith.constant 1 : i32
        %add3A_309 = arith.addi %mul3A_175, %add3A_308 : i32
        %swap3A_310 = arith.constant 1 : i32
        %swap3A_311 = arith.index_cast %swap3A_310 : i32 to index
        %swap3A_312 = arith.index_cast %add3A_309 : i32 to index
        %swap3A_313 = arith.constant 16 : index
        %swap3A_314 = tpu.vector_load %arg7[%swap3A_311, %swap3A_312, %swap3A_313] {strides = array<i32>} : memref<2x64x128xf32, #tpu.memory_space<vmem>>, vector<16xf32>,
        tpu.vector_store %arg7[%swap3A_311, %swap3A_312, %swap3A_313], %gather3A_307 {strides = array<i32>} : memref<2x64x128xf32, #tpu.memory_space<vmem>>, vector<16xf32>,
        %gather3A_315 = arith.constant 1 : i32
        %gather3A_316 = arith.constant 0 : i32
        %gather3A_317 = arith.constant 0 : i32
        %gather3A_318 = tpu.memref_slice %arg6[%gather3A_315, %gather3A_316, %gather3A_317] : memref<2x128x128xf32, #tpu.memory_space<vmem>> -> memref<1x128x128xf32, #tpu.memory_space<vmem>>
        %gather3A_319 = tpu.memref_squeeze %gather3A_318 : memref<1x128x128xf32, #tpu.memory_space<vmem>> -> memref<128x128xf32, #tpu.memory_space<vmem>>
        %gather3A_320 = tpu.vector_load_idx %gather3A_319[%add3A_11, %add3A_288] : memref<128x128xf32, #tpu.memory_space<vmem>>[vector<16xi32>, vector<16xi32>], vector<16xf32>,
        %add3A_321 = arith.constant 1 : i32
        %add3A_322 = arith.addi %mul3A_175, %add3A_321 : i32
        %swap3A_323 = arith.constant 1 : i32
        %swap3A_324 = arith.index_cast %swap3A_323 : i32 to index
        %swap3A_325 = arith.index_cast %add3A_322 : i32 to index
        %swap3A_326 = arith.constant 32 : index
        %swap3A_327 = tpu.vector_load %arg7[%swap3A_324, %swap3A_325, %swap3A_326] {strides = array<i32>} : memref<2x64x128xf32, #tpu.memory_space<vmem>>, vector<16xf32>,
        tpu.vector_store %arg7[%swap3A_324, %swap3A_325, %swap3A_326], %gather3A_320 {strides = array<i32>} : memref<2x64x128xf32, #tpu.memory_space<vmem>>, vector<16xf32>,
        %gather3A_328 = arith.constant 1 : i32
        %gather3A_329 = arith.constant 0 : i32
        %gather3A_330 = arith.constant 0 : i32
        %gather3A_331 = tpu.memref_slice %arg6[%gather3A_328, %gather3A_329, %gather3A_330] : memref<2x128x128xf32, #tpu.memory_space<vmem>> -> memref<1x128x128xf32, #tpu.memory_space<vmem>>
        %gather3A_332 = tpu.memref_squeeze %gather3A_331 : memref<1x128x128xf32, #tpu.memory_space<vmem>> -> memref<128x128xf32, #tpu.memory_space<vmem>>
        %gather3A_333 = tpu.vector_load_idx %gather3A_332[%add3A_14, %add3A_288] : memref<128x128xf32, #tpu.memory_space<vmem>>[vector<16xi32>, vector<16xi32>], vector<16xf32>,
        %add3A_334 = arith.constant 1 : i32
        %add3A_335 = arith.addi %mul3A_175, %add3A_334 : i32
        %swap3A_336 = arith.constant 1 : i32
        %swap3A_337 = arith.index_cast %swap3A_336 : i32 to index
        %swap3A_338 = arith.index_cast %add3A_335 : i32 to index
        %swap3A_339 = arith.constant 48 : index
        %swap3A_340 = tpu.vector_load %arg7[%swap3A_337, %swap3A_338, %swap3A_339] {strides = array<i32>} : memref<2x64x128xf32, #tpu.memory_space<vmem>>, vector<16xf32>,
        tpu.vector_store %arg7[%swap3A_337, %swap3A_338, %swap3A_339], %gather3A_333 {strides = array<i32>} : memref<2x64x128xf32, #tpu.memory_space<vmem>>, vector<16xf32>,
        %gather3A_341 = arith.constant 1 : i32
        %gather3A_342 = arith.constant 0 : i32
        %gather3A_343 = arith.constant 0 : i32
        %gather3A_344 = tpu.memref_slice %arg6[%gather3A_341, %gather3A_342, %gather3A_343] : memref<2x128x128xf32, #tpu.memory_space<vmem>> -> memref<1x128x128xf32, #tpu.memory_space<vmem>>
        %gather3A_345 = tpu.memref_squeeze %gather3A_344 : memref<1x128x128xf32, #tpu.memory_space<vmem>> -> memref<128x128xf32, #tpu.memory_space<vmem>>
        %gather3A_346 = tpu.vector_load_idx %gather3A_345[%add3A_17, %add3A_288] : memref<128x128xf32, #tpu.memory_space<vmem>>[vector<16xi32>, vector<16xi32>], vector<16xf32>,
        %add3A_347 = arith.constant 1 : i32
        %add3A_348 = arith.addi %mul3A_175, %add3A_347 : i32
        %swap3A_349 = arith.constant 1 : i32
        %swap3A_350 = arith.index_cast %swap3A_349 : i32 to index
        %swap3A_351 = arith.index_cast %add3A_348 : i32 to index
        %swap3A_352 = arith.constant 64 : index
        %swap3A_353 = tpu.vector_load %arg7[%swap3A_350, %swap3A_351, %swap3A_352] {strides = array<i32>} : memref<2x64x128xf32, #tpu.memory_space<vmem>>, vector<16xf32>,
        tpu.vector_store %arg7[%swap3A_350, %swap3A_351, %swap3A_352], %gather3A_346 {strides = array<i32>} : memref<2x64x128xf32, #tpu.memory_space<vmem>>, vector<16xf32>,
        %gather3A_354 = arith.constant 1 : i32
        %gather3A_355 = arith.constant 0 : i32
        %gather3A_356 = arith.constant 0 : i32
        %gather3A_357 = tpu.memref_slice %arg6[%gather3A_354, %gather3A_355, %gather3A_356] : memref<2x128x128xf32, #tpu.memory_space<vmem>> -> memref<1x128x128xf32, #tpu.memory_space<vmem>>
        %gather3A_358 = tpu.memref_squeeze %gather3A_357 : memref<1x128x128xf32, #tpu.memory_space<vmem>> -> memref<128x128xf32, #tpu.memory_space<vmem>>
        %gather3A_359 = tpu.vector_load_idx %gather3A_358[%add3A_20, %add3A_288] : memref<128x128xf32, #tpu.memory_space<vmem>>[vector<16xi32>, vector<16xi32>], vector<16xf32>,
        %add3A_360 = arith.constant 1 : i32
        %add3A_361 = arith.addi %mul3A_175, %add3A_360 : i32
        %swap3A_362 = arith.constant 1 : i32
        %swap3A_363 = arith.index_cast %swap3A_362 : i32 to index
        %swap3A_364 = arith.index_cast %add3A_361 : i32 to index
        %swap3A_365 = arith.constant 80 : index
        %swap3A_366 = tpu.vector_load %arg7[%swap3A_363, %swap3A_364, %swap3A_365] {strides = array<i32>} : memref<2x64x128xf32, #tpu.memory_space<vmem>>, vector<16xf32>,
        tpu.vector_store %arg7[%swap3A_363, %swap3A_364, %swap3A_365], %gather3A_359 {strides = array<i32>} : memref<2x64x128xf32, #tpu.memory_space<vmem>>, vector<16xf32>,
        %gather3A_367 = arith.constant 1 : i32
        %gather3A_368 = arith.constant 0 : i32
        %gather3A_369 = arith.constant 0 : i32
        %gather3A_370 = tpu.memref_slice %arg6[%gather3A_367, %gather3A_368, %gather3A_369] : memref<2x128x128xf32, #tpu.memory_space<vmem>> -> memref<1x128x128xf32, #tpu.memory_space<vmem>>
        %gather3A_371 = tpu.memref_squeeze %gather3A_370 : memref<1x128x128xf32, #tpu.memory_space<vmem>> -> memref<128x128xf32, #tpu.memory_space<vmem>>
        %gather3A_372 = tpu.vector_load_idx %gather3A_371[%add3A_23, %add3A_288] : memref<128x128xf32, #tpu.memory_space<vmem>>[vector<16xi32>, vector<16xi32>], vector<16xf32>,
        %add3A_373 = arith.constant 1 : i32
        %add3A_374 = arith.addi %mul3A_175, %add3A_373 : i32
        %swap3A_375 = arith.constant 1 : i32
        %swap3A_376 = arith.index_cast %swap3A_375 : i32 to index
        %swap3A_377 = arith.index_cast %add3A_374 : i32 to index
        %swap3A_378 = arith.constant 96 : index
        %swap3A_379 = tpu.vector_load %arg7[%swap3A_376, %swap3A_377, %swap3A_378] {strides = array<i32>} : memref<2x64x128xf32, #tpu.memory_space<vmem>>, vector<16xf32>,
        tpu.vector_store %arg7[%swap3A_376, %swap3A_377, %swap3A_378], %gather3A_372 {strides = array<i32>} : memref<2x64x128xf32, #tpu.memory_space<vmem>>, vector<16xf32>,
        %gather3A_380 = arith.constant 1 : i32
        %gather3A_381 = arith.constant 0 : i32
        %gather3A_382 = arith.constant 0 : i32
        %gather3A_383 = tpu.memref_slice %arg6[%gather3A_380, %gather3A_381, %gather3A_382] : memref<2x128x128xf32, #tpu.memory_space<vmem>> -> memref<1x128x128xf32, #tpu.memory_space<vmem>>
        %gather3A_384 = tpu.memref_squeeze %gather3A_383 : memref<1x128x128xf32, #tpu.memory_space<vmem>> -> memref<128x128xf32, #tpu.memory_space<vmem>>
        %gather3A_385 = tpu.vector_load_idx %gather3A_384[%add3A_26, %add3A_288] : memref<128x128xf32, #tpu.memory_space<vmem>>[vector<16xi32>, vector<16xi32>], vector<16xf32>,
        %add3A_386 = arith.constant 1 : i32
        %add3A_387 = arith.addi %mul3A_175, %add3A_386 : i32
        %swap3A_388 = arith.constant 1 : i32
        %swap3A_389 = arith.index_cast %swap3A_388 : i32 to index
        %swap3A_390 = arith.index_cast %add3A_387 : i32 to index
        %swap3A_391 = arith.constant 112 : index
        %swap3A_392 = tpu.vector_load %arg7[%swap3A_389, %swap3A_390, %swap3A_391] {strides = array<i32>} : memref<2x64x128xf32, #tpu.memory_space<vmem>>, vector<16xf32>,
        tpu.vector_store %arg7[%swap3A_389, %swap3A_390, %swap3A_391], %gather3A_385 {strides = array<i32>} : memref<2x64x128xf32, #tpu.memory_space<vmem>>, vector<16xf32>,
        %broadcast_in_dim3A_393 = arith.constant 0 : i32
        %broadcast_in_dim3A_394 = vector.broadcast %broadcast_in_dim3A_393 : i32 to vector<16xi32>
        %add3A_395 = arith.constant 2 : i32
        %add3A_396 = arith.addi %mul3A_175, %add3A_395 : i32
        %add3A_397 = vector.broadcast %add3A_396 : i32 to vector<16xi32>
        %add3A_398 = arith.addi %broadcast_in_dim3A_394, %add3A_397 : vector<16xi32>
        %gather3A_399 = arith.constant 1 : i32
        %gather3A_400 = arith.constant 0 : i32
        %gather3A_401 = arith.constant 0 : i32
        %gather3A_402 = tpu.memref_slice %arg6[%gather3A_399, %gather3A_400, %gather3A_401] : memref<2x128x128xf32, #tpu.memory_space<vmem>> -> memref<1x128x128xf32, #tpu.memory_space<vmem>>
        %gather3A_403 = tpu.memref_squeeze %gather3A_402 : memref<1x128x128xf32, #tpu.memory_space<vmem>> -> memref<128x128xf32, #tpu.memory_space<vmem>>
        %gather3A_404 = tpu.vector_load_idx %gather3A_403[%add3A_5, %add3A_398] : memref<128x128xf32, #tpu.memory_space<vmem>>[vector<16xi32>, vector<16xi32>], vector<16xf32>,
        %add3A_405 = arith.constant 2 : i32
        %add3A_406 = arith.addi %mul3A_175, %add3A_405 : i32
        %swap3A_407 = arith.constant 1 : i32
        %swap3A_408 = arith.index_cast %swap3A_407 : i32 to index
        %swap3A_409 = arith.index_cast %add3A_406 : i32 to index
        %swap3A_410 = arith.constant 0 : index
        %swap3A_411 = tpu.vector_load %arg7[%swap3A_408, %swap3A_409, %swap3A_410] {strides = array<i32>} : memref<2x64x128xf32, #tpu.memory_space<vmem>>, vector<16xf32>,
        tpu.vector_store %arg7[%swap3A_408, %swap3A_409, %swap3A_410], %gather3A_404 {strides = array<i32>} : memref<2x64x128xf32, #tpu.memory_space<vmem>>, vector<16xf32>,
        %gather3A_412 = arith.constant 1 : i32
        %gather3A_413 = arith.constant 0 : i32
        %gather3A_414 = arith.constant 0 : i32
        %gather3A_415 = tpu.memref_slice %arg6[%gather3A_412, %gather3A_413, %gather3A_414] : memref<2x128x128xf32, #tpu.memory_space<vmem>> -> memref<1x128x128xf32, #tpu.memory_space<vmem>>
        %gather3A_416 = tpu.memref_squeeze %gather3A_415 : memref<1x128x128xf32, #tpu.memory_space<vmem>> -> memref<128x128xf32, #tpu.memory_space<vmem>>
        %gather3A_417 = tpu.vector_load_idx %gather3A_416[%add3A_8, %add3A_398] : memref<128x128xf32, #tpu.memory_space<vmem>>[vector<16xi32>, vector<16xi32>], vector<16xf32>,
        %add3A_418 = arith.constant 2 : i32
        %add3A_419 = arith.addi %mul3A_175, %add3A_418 : i32
        %swap3A_420 = arith.constant 1 : i32
        %swap3A_421 = arith.index_cast %swap3A_420 : i32 to index
        %swap3A_422 = arith.index_cast %add3A_419 : i32 to index
        %swap3A_423 = arith.constant 16 : index
        %swap3A_424 = tpu.vector_load %arg7[%swap3A_421, %swap3A_422, %swap3A_423] {strides = array<i32>} : memref<2x64x128xf32, #tpu.memory_space<vmem>>, vector<16xf32>,
        tpu.vector_store %arg7[%swap3A_421, %swap3A_422, %swap3A_423], %gather3A_417 {strides = array<i32>} : memref<2x64x128xf32, #tpu.memory_space<vmem>>, vector<16xf32>,
        %gather3A_425 = arith.constant 1 : i32
        %gather3A_426 = arith.constant 0 : i32
        %gather3A_427 = arith.constant 0 : i32
        %gather3A_428 = tpu.memref_slice %arg6[%gather3A_425, %gather3A_426, %gather3A_427] : memref<2x128x128xf32, #tpu.memory_space<vmem>> -> memref<1x128x128xf32, #tpu.memory_space<vmem>>
        %gather3A_429 = tpu.memref_squeeze %gather3A_428 : memref<1x128x128xf32, #tpu.memory_space<vmem>> -> memref<128x128xf32, #tpu.memory_space<vmem>>
        %gather3A_430 = tpu.vector_load_idx %gather3A_429[%add3A_11, %add3A_398] : memref<128x128xf32, #tpu.memory_space<vmem>>[vector<16xi32>, vector<16xi32>], vector<16xf32>,
        %add3A_431 = arith.constant 2 : i32
        %add3A_432 = arith.addi %mul3A_175, %add3A_431 : i32
        %swap3A_433 = arith.constant 1 : i32
        %swap3A_434 = arith.index_cast %swap3A_433 : i32 to index
        %swap3A_435 = arith.index_cast %add3A_432 : i32 to index
        %swap3A_436 = arith.constant 32 : index
        %swap3A_437 = tpu.vector_load %arg7[%swap3A_434, %swap3A_435, %swap3A_436] {strides = array<i32>} : memref<2x64x128xf32, #tpu.memory_space<vmem>>, vector<16xf32>,
        tpu.vector_store %arg7[%swap3A_434, %swap3A_435, %swap3A_436], %gather3A_430 {strides = array<i32>} : memref<2x64x128xf32, #tpu.memory_space<vmem>>, vector<16xf32>,
        %gather3A_438 = arith.constant 1 : i32
        %gather3A_439 = arith.constant 0 : i32
        %gather3A_440 = arith.constant 0 : i32
        %gather3A_441 = tpu.memref_slice %arg6[%gather3A_438, %gather3A_439, %gather3A_440] : memref<2x128x128xf32, #tpu.memory_space<vmem>> -> memref<1x128x128xf32, #tpu.memory_space<vmem>>
        %gather3A_442 = tpu.memref_squeeze %gather3A_441 : memref<1x128x128xf32, #tpu.memory_space<vmem>> -> memref<128x128xf32, #tpu.memory_space<vmem>>
        %gather3A_443 = tpu.vector_load_idx %gather3A_442[%add3A_14, %add3A_398] : memref<128x128xf32, #tpu.memory_space<vmem>>[vector<16xi32>, vector<16xi32>], vector<16xf32>,
        %add3A_444 = arith.constant 2 : i32
        %add3A_445 = arith.addi %mul3A_175, %add3A_444 : i32
        %swap3A_446 = arith.constant 1 : i32
        %swap3A_447 = arith.index_cast %swap3A_446 : i32 to index
        %swap3A_448 = arith.index_cast %add3A_445 : i32 to index
        %swap3A_449 = arith.constant 48 : index
        %swap3A_450 = tpu.vector_load %arg7[%swap3A_447, %swap3A_448, %swap3A_449] {strides = array<i32>} : memref<2x64x128xf32, #tpu.memory_space<vmem>>, vector<16xf32>,
        tpu.vector_store %arg7[%swap3A_447, %swap3A_448, %swap3A_449], %gather3A_443 {strides = array<i32>} : memref<2x64x128xf32, #tpu.memory_space<vmem>>, vector<16xf32>,
        %gather3A_451 = arith.constant 1 : i32
        %gather3A_452 = arith.constant 0 : i32
        %gather3A_453 = arith.constant 0 : i32
        %gather3A_454 = tpu.memref_slice %arg6[%gather3A_451, %gather3A_452, %gather3A_453] : memref<2x128x128xf32, #tpu.memory_space<vmem>> -> memref<1x128x128xf32, #tpu.memory_space<vmem>>
        %gather3A_455 = tpu.memref_squeeze %gather3A_454 : memref<1x128x128xf32, #tpu.memory_space<vmem>> -> memref<128x128xf32, #tpu.memory_space<vmem>>
        %gather3A_456 = tpu.vector_load_idx %gather3A_455[%add3A_17, %add3A_398] : memref<128x128xf32, #tpu.memory_space<vmem>>[vector<16xi32>, vector<16xi32>], vector<16xf32>,
        %add3A_457 = arith.constant 2 : i32
        %add3A_458 = arith.addi %mul3A_175, %add3A_457 : i32
        %swap3A_459 = arith.constant 1 : i32
        %swap3A_460 = arith.index_cast %swap3A_459 : i32 to index
        %swap3A_461 = arith.index_cast %add3A_458 : i32 to index
        %swap3A_462 = arith.constant 64 : index
        %swap3A_463 = tpu.vector_load %arg7[%swap3A_460, %swap3A_461, %swap3A_462] {strides = array<i32>} : memref<2x64x128xf32, #tpu.memory_space<vmem>>, vector<16xf32>,
        tpu.vector_store %arg7[%swap3A_460, %swap3A_461, %swap3A_462], %gather3A_456 {strides = array<i32>} : memref<2x64x128xf32, #tpu.memory_space<vmem>>, vector<16xf32>,
        %gather3A_464 = arith.constant 1 : i32
        %gather3A_465 = arith.constant 0 : i32
        %gather3A_466 = arith.constant 0 : i32
        %gather3A_467 = tpu.memref_slice %arg6[%gather3A_464, %gather3A_465, %gather3A_466] : memref<2x128x128xf32, #tpu.memory_space<vmem>> -> memref<1x128x128xf32, #tpu.memory_space<vmem>>
        %gather3A_468 = tpu.memref_squeeze %gather3A_467 : memref<1x128x128xf32, #tpu.memory_space<vmem>> -> memref<128x128xf32, #tpu.memory_space<vmem>>
        %gather3A_469 = tpu.vector_load_idx %gather3A_468[%add3A_20, %add3A_398] : memref<128x128xf32, #tpu.memory_space<vmem>>[vector<16xi32>, vector<16xi32>], vector<16xf32>,
        %add3A_470 = arith.constant 2 : i32
        %add3A_471 = arith.addi %mul3A_175, %add3A_470 : i32
        %swap3A_472 = arith.constant 1 : i32
        %swap3A_473 = arith.index_cast %swap3A_472 : i32 to index
        %swap3A_474 = arith.index_cast %add3A_471 : i32 to index
        %swap3A_475 = arith.constant 80 : index
        %swap3A_476 = tpu.vector_load %arg7[%swap3A_473, %swap3A_474, %swap3A_475] {strides = array<i32>} : memref<2x64x128xf32, #tpu.memory_space<vmem>>, vector<16xf32>,
        tpu.vector_store %arg7[%swap3A_473, %swap3A_474, %swap3A_475], %gather3A_469 {strides = array<i32>} : memref<2x64x128xf32, #tpu.memory_space<vmem>>, vector<16xf32>,
        %gather3A_477 = arith.constant 1 : i32
        %gather3A_478 = arith.constant 0 : i32
        %gather3A_479 = arith.constant 0 : i32
        %gather3A_480 = tpu.memref_slice %arg6[%gather3A_477, %gather3A_478, %gather3A_479] : memref<2x128x128xf32, #tpu.memory_space<vmem>> -> memref<1x128x128xf32, #tpu.memory_space<vmem>>
        %gather3A_481 = tpu.memref_squeeze %gather3A_480 : memref<1x128x128xf32, #tpu.memory_space<vmem>> -> memref<128x128xf32, #tpu.memory_space<vmem>>
        %gather3A_482 = tpu.vector_load_idx %gather3A_481[%add3A_23, %add3A_398] : memref<128x128xf32, #tpu.memory_space<vmem>>[vector<16xi32>, vector<16xi32>], vector<16xf32>,
        %add3A_483 = arith.constant 2 : i32
        %add3A_484 = arith.addi %mul3A_175, %add3A_483 : i32
        %swap3A_485 = arith.constant 1 : i32
        %swap3A_486 = arith.index_cast %swap3A_485 : i32 to index
        %swap3A_487 = arith.index_cast %add3A_484 : i32 to index
        %swap3A_488 = arith.constant 96 : index
        %swap3A_489 = tpu.vector_load %arg7[%swap3A_486, %swap3A_487, %swap3A_488] {strides = array<i32>} : memref<2x64x128xf32, #tpu.memory_space<vmem>>, vector<16xf32>,
        tpu.vector_store %arg7[%swap3A_486, %swap3A_487, %swap3A_488], %gather3A_482 {strides = array<i32>} : memref<2x64x128xf32, #tpu.memory_space<vmem>>, vector<16xf32>,
        %gather3A_490 = arith.constant 1 : i32
        %gather3A_491 = arith.constant 0 : i32
        %gather3A_492 = arith.constant 0 : i32
        %gather3A_493 = tpu.memref_slice %arg6[%gather3A_490, %gather3A_491, %gather3A_492] : memref<2x128x128xf32, #tpu.memory_space<vmem>> -> memref<1x128x128xf32, #tpu.memory_space<vmem>>
        %gather3A_494 = tpu.memref_squeeze %gather3A_493 : memref<1x128x128xf32, #tpu.memory_space<vmem>> -> memref<128x128xf32, #tpu.memory_space<vmem>>
        %gather3A_495 = tpu.vector_load_idx %gather3A_494[%add3A_26, %add3A_398] : memref<128x128xf32, #tpu.memory_space<vmem>>[vector<16xi32>, vector<16xi32>], vector<16xf32>,
        %add3A_496 = arith.constant 2 : i32
        %add3A_497 = arith.addi %mul3A_175, %add3A_496 : i32
        %swap3A_498 = arith.constant 1 : i32
        %swap3A_499 = arith.index_cast %swap3A_498 : i32 to index
        %swap3A_500 = arith.index_cast %add3A_497 : i32 to index
        %swap3A_501 = arith.constant 112 : index
        %swap3A_502 = tpu.vector_load %arg7[%swap3A_499, %swap3A_500, %swap3A_501] {strides = array<i32>} : memref<2x64x128xf32, #tpu.memory_space<vmem>>, vector<16xf32>,
        tpu.vector_store %arg7[%swap3A_499, %swap3A_500, %swap3A_501], %gather3A_495 {strides = array<i32>} : memref<2x64x128xf32, #tpu.memory_space<vmem>>, vector<16xf32>,
        %broadcast_in_dim3A_503 = arith.constant 0 : i32
        %broadcast_in_dim3A_504 = vector.broadcast %broadcast_in_dim3A_503 : i32 to vector<16xi32>
        %add3A_505 = arith.constant 3 : i32
        %add3A_506 = arith.addi %mul3A_175, %add3A_505 : i32
        %add3A_507 = vector.broadcast %add3A_506 : i32 to vector<16xi32>
        %add3A_508 = arith.addi %broadcast_in_dim3A_504, %add3A_507 : vector<16xi32>
        %gather3A_509 = arith.constant 1 : i32
        %gather3A_510 = arith.constant 0 : i32
        %gather3A_511 = arith.constant 0 : i32
        %gather3A_512 = tpu.memref_slice %arg6[%gather3A_509, %gather3A_510, %gather3A_511] : memref<2x128x128xf32, #tpu.memory_space<vmem>> -> memref<1x128x128xf32, #tpu.memory_space<vmem>>
        %gather3A_513 = tpu.memref_squeeze %gather3A_512 : memref<1x128x128xf32, #tpu.memory_space<vmem>> -> memref<128x128xf32, #tpu.memory_space<vmem>>
        %gather3A_514 = tpu.vector_load_idx %gather3A_513[%add3A_5, %add3A_508] : memref<128x128xf32, #tpu.memory_space<vmem>>[vector<16xi32>, vector<16xi32>], vector<16xf32>,
        %add3A_515 = arith.constant 3 : i32
        %add3A_516 = arith.addi %mul3A_175, %add3A_515 : i32
        %swap3A_517 = arith.constant 1 : i32
        %swap3A_518 = arith.index_cast %swap3A_517 : i32 to index
        %swap3A_519 = arith.index_cast %add3A_516 : i32 to index
        %swap3A_520 = arith.constant 0 : index
        %swap3A_521 = tpu.vector_load %arg7[%swap3A_518, %swap3A_519, %swap3A_520] {strides = array<i32>} : memref<2x64x128xf32, #tpu.memory_space<vmem>>, vector<16xf32>,
        tpu.vector_store %arg7[%swap3A_518, %swap3A_519, %swap3A_520], %gather3A_514 {strides = array<i32>} : memref<2x64x128xf32, #tpu.memory_space<vmem>>, vector<16xf32>,
        %gather3A_522 = arith.constant 1 : i32
        %gather3A_523 = arith.constant 0 : i32
        %gather3A_524 = arith.constant 0 : i32
        %gather3A_525 = tpu.memref_slice %arg6[%gather3A_522, %gather3A_523, %gather3A_524] : memref<2x128x128xf32, #tpu.memory_space<vmem>> -> memref<1x128x128xf32, #tpu.memory_space<vmem>>
        %gather3A_526 = tpu.memref_squeeze %gather3A_525 : memref<1x128x128xf32, #tpu.memory_space<vmem>> -> memref<128x128xf32, #tpu.memory_space<vmem>>
        %gather3A_527 = tpu.vector_load_idx %gather3A_526[%add3A_8, %add3A_508] : memref<128x128xf32, #tpu.memory_space<vmem>>[vector<16xi32>, vector<16xi32>], vector<16xf32>,
        %add3A_528 = arith.constant 3 : i32
        %add3A_529 = arith.addi %mul3A_175, %add3A_528 : i32
        %swap3A_530 = arith.constant 1 : i32
        %swap3A_531 = arith.index_cast %swap3A_530 : i32 to index
        %swap3A_532 = arith.index_cast %add3A_529 : i32 to index
        %swap3A_533 = arith.constant 16 : index
        %swap3A_534 = tpu.vector_load %arg7[%swap3A_531, %swap3A_532, %swap3A_533] {strides = array<i32>} : memref<2x64x128xf32, #tpu.memory_space<vmem>>, vector<16xf32>,
        tpu.vector_store %arg7[%swap3A_531, %swap3A_532, %swap3A_533], %gather3A_527 {strides = array<i32>} : memref<2x64x128xf32, #tpu.memory_space<vmem>>, vector<16xf32>,
        %gather3A_535 = arith.constant 1 : i32
        %gather3A_536 = arith.constant 0 : i32
        %gather3A_537 = arith.constant 0 : i32
        %gather3A_538 = tpu.memref_slice %arg6[%gather3A_535, %gather3A_536, %gather3A_537] : memref<2x128x128xf32, #tpu.memory_space<vmem>> -> memref<1x128x128xf32, #tpu.memory_space<vmem>>
        %gather3A_539 = tpu.memref_squeeze %gather3A_538 : memref<1x128x128xf32, #tpu.memory_space<vmem>> -> memref<128x128xf32, #tpu.memory_space<vmem>>
        %gather3A_540 = tpu.vector_load_idx %gather3A_539[%add3A_11, %add3A_508] : memref<128x128xf32, #tpu.memory_space<vmem>>[vector<16xi32>, vector<16xi32>], vector<16xf32>,
        %add3A_541 = arith.constant 3 : i32
        %add3A_542 = arith.addi %mul3A_175, %add3A_541 : i32
        %swap3A_543 = arith.constant 1 : i32
        %swap3A_544 = arith.index_cast %swap3A_543 : i32 to index
        %swap3A_545 = arith.index_cast %add3A_542 : i32 to index
        %swap3A_546 = arith.constant 32 : index
        %swap3A_547 = tpu.vector_load %arg7[%swap3A_544, %swap3A_545, %swap3A_546] {strides = array<i32>} : memref<2x64x128xf32, #tpu.memory_space<vmem>>, vector<16xf32>,
        tpu.vector_store %arg7[%swap3A_544, %swap3A_545, %swap3A_546], %gather3A_540 {strides = array<i32>} : memref<2x64x128xf32, #tpu.memory_space<vmem>>, vector<16xf32>,
        %gather3A_548 = arith.constant 1 : i32
        %gather3A_549 = arith.constant 0 : i32
        %gather3A_550 = arith.constant 0 : i32
        %gather3A_551 = tpu.memref_slice %arg6[%gather3A_548, %gather3A_549, %gather3A_550] : memref<2x128x128xf32, #tpu.memory_space<vmem>> -> memref<1x128x128xf32, #tpu.memory_space<vmem>>
        %gather3A_552 = tpu.memref_squeeze %gather3A_551 : memref<1x128x128xf32, #tpu.memory_space<vmem>> -> memref<128x128xf32, #tpu.memory_space<vmem>>
        %gather3A_553 = tpu.vector_load_idx %gather3A_552[%add3A_14, %add3A_508] : memref<128x128xf32, #tpu.memory_space<vmem>>[vector<16xi32>, vector<16xi32>], vector<16xf32>,
        %add3A_554 = arith.constant 3 : i32
        %add3A_555 = arith.addi %mul3A_175, %add3A_554 : i32
        %swap3A_556 = arith.constant 1 : i32
        %swap3A_557 = arith.index_cast %swap3A_556 : i32 to index
        %swap3A_558 = arith.index_cast %add3A_555 : i32 to index
        %swap3A_559 = arith.constant 48 : index
        %swap3A_560 = tpu.vector_load %arg7[%swap3A_557, %swap3A_558, %swap3A_559] {strides = array<i32>} : memref<2x64x128xf32, #tpu.memory_space<vmem>>, vector<16xf32>,
        tpu.vector_store %arg7[%swap3A_557, %swap3A_558, %swap3A_559], %gather3A_553 {strides = array<i32>} : memref<2x64x128xf32, #tpu.memory_space<vmem>>, vector<16xf32>,
        %gather3A_561 = arith.constant 1 : i32
        %gather3A_562 = arith.constant 0 : i32
        %gather3A_563 = arith.constant 0 : i32
        %gather3A_564 = tpu.memref_slice %arg6[%gather3A_561, %gather3A_562, %gather3A_563] : memref<2x128x128xf32, #tpu.memory_space<vmem>> -> memref<1x128x128xf32, #tpu.memory_space<vmem>>
        %gather3A_565 = tpu.memref_squeeze %gather3A_564 : memref<1x128x128xf32, #tpu.memory_space<vmem>> -> memref<128x128xf32, #tpu.memory_space<vmem>>
        %gather3A_566 = tpu.vector_load_idx %gather3A_565[%add3A_17, %add3A_508] : memref<128x128xf32, #tpu.memory_space<vmem>>[vector<16xi32>, vector<16xi32>], vector<16xf32>,
        %add3A_567 = arith.constant 3 : i32
        %add3A_568 = arith.addi %mul3A_175, %add3A_567 : i32
        %swap3A_569 = arith.constant 1 : i32
        %swap3A_570 = arith.index_cast %swap3A_569 : i32 to index
        %swap3A_571 = arith.index_cast %add3A_568 : i32 to index
        %swap3A_572 = arith.constant 64 : index
        %swap3A_573 = tpu.vector_load %arg7[%swap3A_570, %swap3A_571, %swap3A_572] {strides = array<i32>} : memref<2x64x128xf32, #tpu.memory_space<vmem>>, vector<16xf32>,
        tpu.vector_store %arg7[%swap3A_570, %swap3A_571, %swap3A_572], %gather3A_566 {strides = array<i32>} : memref<2x64x128xf32, #tpu.memory_space<vmem>>, vector<16xf32>,
        %gather3A_574 = arith.constant 1 : i32
        %gather3A_575 = arith.constant 0 : i32
        %gather3A_576 = arith.constant 0 : i32
        %gather3A_577 = tpu.memref_slice %arg6[%gather3A_574, %gather3A_575, %gather3A_576] : memref<2x128x128xf32, #tpu.memory_space<vmem>> -> memref<1x128x128xf32, #tpu.memory_space<vmem>>
        %gather3A_578 = tpu.memref_squeeze %gather3A_577 : memref<1x128x128xf32, #tpu.memory_space<vmem>> -> memref<128x128xf32, #tpu.memory_space<vmem>>
        %gather3A_579 = tpu.vector_load_idx %gather3A_578[%add3A_20, %add3A_508] : memref<128x128xf32, #tpu.memory_space<vmem>>[vector<16xi32>, vector<16xi32>], vector<16xf32>,
        %add3A_580 = arith.constant 3 : i32
        %add3A_581 = arith.addi %mul3A_175, %add3A_580 : i32
        %swap3A_582 = arith.constant 1 : i32
        %swap3A_583 = arith.index_cast %swap3A_582 : i32 to index
        %swap3A_584 = arith.index_cast %add3A_581 : i32 to index
        %swap3A_585 = arith.constant 80 : index
        %swap3A_586 = tpu.vector_load %arg7[%swap3A_583, %swap3A_584, %swap3A_585] {strides = array<i32>} : memref<2x64x128xf32, #tpu.memory_space<vmem>>, vector<16xf32>,
        tpu.vector_store %arg7[%swap3A_583, %swap3A_584, %swap3A_585], %gather3A_579 {strides = array<i32>} : memref<2x64x128xf32, #tpu.memory_space<vmem>>, vector<16xf32>,
        %gather3A_587 = arith.constant 1 : i32
        %gather3A_588 = arith.constant 0 : i32
        %gather3A_589 = arith.constant 0 : i32
        %gather3A_590 = tpu.memref_slice %arg6[%gather3A_587, %gather3A_588, %gather3A_589] : memref<2x128x128xf32, #tpu.memory_space<vmem>> -> memref<1x128x128xf32, #tpu.memory_space<vmem>>
        %gather3A_591 = tpu.memref_squeeze %gather3A_590 : memref<1x128x128xf32, #tpu.memory_space<vmem>> -> memref<128x128xf32, #tpu.memory_space<vmem>>
        %gather3A_592 = tpu.vector_load_idx %gather3A_591[%add3A_23, %add3A_508] : memref<128x128xf32, #tpu.memory_space<vmem>>[vector<16xi32>, vector<16xi32>], vector<16xf32>,
        %add3A_593 = arith.constant 3 : i32
        %add3A_594 = arith.addi %mul3A_175, %add3A_593 : i32
        %swap3A_595 = arith.constant 1 : i32
        %swap3A_596 = arith.index_cast %swap3A_595 : i32 to index
        %swap3A_597 = arith.index_cast %add3A_594 : i32 to index
        %swap3A_598 = arith.constant 96 : index
        %swap3A_599 = tpu.vector_load %arg7[%swap3A_596, %swap3A_597, %swap3A_598] {strides = array<i32>} : memref<2x64x128xf32, #tpu.memory_space<vmem>>, vector<16xf32>,
        tpu.vector_store %arg7[%swap3A_596, %swap3A_597, %swap3A_598], %gather3A_592 {strides = array<i32>} : memref<2x64x128xf32, #tpu.memory_space<vmem>>, vector<16xf32>,
        %gather3A_600 = arith.constant 1 : i32
        %gather3A_601 = arith.constant 0 : i32
        %gather3A_602 = arith.constant 0 : i32
        %gather3A_603 = tpu.memref_slice %arg6[%gather3A_600, %gather3A_601, %gather3A_602] : memref<2x128x128xf32, #tpu.memory_space<vmem>> -> memref<1x128x128xf32, #tpu.memory_space<vmem>>
        %gather3A_604 = tpu.memref_squeeze %gather3A_603 : memref<1x128x128xf32, #tpu.memory_space<vmem>> -> memref<128x128xf32, #tpu.memory_space<vmem>>
        %gather3A_605 = tpu.vector_load_idx %gather3A_604[%add3A_26, %add3A_508] : memref<128x128xf32, #tpu.memory_space<vmem>>[vector<16xi32>, vector<16xi32>], vector<16xf32>,
        %add3A_606 = arith.constant 3 : i32
        %add3A_607 = arith.addi %mul3A_175, %add3A_606 : i32
        %swap3A_608 = arith.constant 1 : i32
        %swap3A_609 = arith.index_cast %swap3A_608 : i32 to index
        %swap3A_610 = arith.index_cast %add3A_607 : i32 to index
        %swap3A_611 = arith.constant 112 : index
        %swap3A_612 = tpu.vector_load %arg7[%swap3A_609, %swap3A_610, %swap3A_611] {strides = array<i32>} : memref<2x64x128xf32, #tpu.memory_space<vmem>>, vector<16xf32>,
        tpu.vector_store %arg7[%swap3A_609, %swap3A_610, %swap3A_611], %gather3A_605 {strides = array<i32>} : memref<2x64x128xf32, #tpu.memory_space<vmem>>, vector<16xf32>,
      }
      %scan3A_157 = arith.constant 16 : i32
      %dma_start3A_158 = arith.constant 1 : i32
      %dma_start3A_159 = arith.constant 0 : i32
      %dma_start3A_160 = arith.constant 0 : i32
      %dma_start3A_161 = tpu.memref_slice %arg7[%dma_start3A_158, %dma_start3A_159, %dma_start3A_160] : memref<2x64x128xf32, #tpu.memory_space<vmem>> -> memref<1x64x128xf32, #tpu.memory_space<vmem>>
      %dma_start3A_162 = tpu.memref_squeeze %dma_start3A_161 : memref<1x64x128xf32, #tpu.memory_space<vmem>> -> memref<64x128xf32, #tpu.memory_space<vmem>>
      %dma_start3A_163 = arith.constant 0 : i32
      %dma_start3A_164 = tpu.memref_slice %arg4[%add3A_124, %dma_start3A_163, %mul3A_2] : memref<200x64x4096xf32, #tpu.memory_space<hbm>> -> memref<1x64x128xf32, #tpu.memory_space<hbm>>
      %dma_start3A_165 = tpu.memref_squeeze %dma_start3A_164 : memref<1x64x128xf32, #tpu.memory_space<hbm>> -> memref<64x128xf32, #tpu.memory_space<hbm>>
      %dma_start3A_166 = arith.constant 0 : i32
      %dma_start3A_167 = tpu.memref_slice %arg4[%add3A_124, %dma_start3A_166, %mul3A_2] : memref<200x64x4096xf32, #tpu.memory_space<hbm>> -> memref<1x64x128xf32, #tpu.memory_space<hbm>>
      %dma_start3A_168 = tpu.memref_squeeze %dma_start3A_167 : memref<1x64x128xf32, #tpu.memory_space<hbm>> -> memref<64x128xf32, #tpu.memory_space<hbm>>
      %dma_start3A_169 = arith.constant 0 : i32
      %dma_start3A_170 = arith.constant 0 : i32
      %dma_start3A_171 = tpu.memref_slice %arg7[%dma_start3A_158, %dma_start3A_169, %dma_start3A_170] : memref<2x64x128xf32, #tpu.memory_space<vmem>> -> memref<1x64x128xf32, #tpu.memory_space<vmem>>
      %dma_start3A_172 = tpu.memref_squeeze %dma_start3A_171 : memref<1x64x128xf32, #tpu.memory_space<vmem>> -> memref<64x128xf32, #tpu.memory_space<vmem>>
      tpu.enqueue_dma source(%dma_start3A_172 : memref<64x128xf32, #tpu.memory_space<vmem>>) target(%dma_start3A_168 : memref<64x128xf32, #tpu.memory_space<hbm>>) target_semaphore(%arg11 : memref<!tpu.dma_semaphore, #tpu.memory_space<semaphore_mem>>)
    }
    %scan3A_42 = arith.constant 100 : i32
    %dma_wait3A = arith.constant 0 : i32
    %dma_wait3A_43 = arith.constant 0 : i32
    %dma_wait3A_44 = arith.constant 0 : i32
    %dma_wait3A_45 = tpu.memref_slice %arg7[%dma_wait3A, %dma_wait3A_43, %dma_wait3A_44] : memref<2x64x128xf32, #tpu.memory_space<vmem>> -> memref<1x64x128xf32, #tpu.memory_space<vmem>>
    %dma_wait3A_46 = tpu.memref_squeeze %dma_wait3A_45 : memref<1x64x128xf32, #tpu.memory_space<vmem>> -> memref<64x128xf32, #tpu.memory_space<vmem>>
    %dma_wait3A_47 = arith.constant 0 : i32
    %dma_wait3A_48 = arith.constant 0 : i32
    %dma_wait3A_49 = tpu.memref_slice %arg3[%dma_wait3A_47, %dma_wait3A_48] : memref<1000000x128xf32, #tpu.memory_space<hbm>> -> memref<64x128xf32, #tpu.memory_space<hbm>>
    %dma_wait3A_50 = arith.constant 0 : i32
    %dma_wait3A_51 = arith.constant 0 : i32
    %dma_wait3A_52 = tpu.memref_slice %arg7[%dma_wait3A, %dma_wait3A_50, %dma_wait3A_51] : memref<2x64x128xf32, #tpu.memory_space<vmem>> -> memref<1x64x128xf32, #tpu.memory_space<vmem>>
    %dma_wait3A_53 = tpu.memref_squeeze %dma_wait3A_52 : memref<1x64x128xf32, #tpu.memory_space<vmem>> -> memref<64x128xf32, #tpu.memory_space<vmem>>
    %dma_wait3A_54 = arith.constant 0 : i32
    %dma_wait3A_55 = arith.constant 0 : i32
    %dma_wait3A_56 = tpu.memref_slice %arg3[%dma_wait3A_54, %dma_wait3A_55] : memref<1000000x128xf32, #tpu.memory_space<hbm>> -> memref<64x128xf32, #tpu.memory_space<hbm>>
    tpu.wait_dma2 semaphore(%arg10 : memref<!tpu.dma_semaphore, #tpu.memory_space<semaphore_mem>>) src(%dma_wait3A_56 : memref<64x128xf32, #tpu.memory_space<hbm>>) dst(%dma_wait3A_53 : memref<64x128xf32, #tpu.memory_space<vmem>>)
    %dma_wait3A_57 = arith.constant 1 : i32
    %dma_wait3A_58 = arith.constant 0 : i32
    %dma_wait3A_59 = arith.constant 0 : i32
    %dma_wait3A_60 = tpu.memref_slice %arg7[%dma_wait3A_57, %dma_wait3A_58, %dma_wait3A_59] : memref<2x64x128xf32, #tpu.memory_space<vmem>> -> memref<1x64x128xf32, #tpu.memory_space<vmem>>
    %dma_wait3A_61 = tpu.memref_squeeze %dma_wait3A_60 : memref<1x64x128xf32, #tpu.memory_space<vmem>> -> memref<64x128xf32, #tpu.memory_space<vmem>>
    %dma_wait3A_62 = arith.constant 0 : i32
    %dma_wait3A_63 = arith.constant 0 : i32
    %dma_wait3A_64 = tpu.memref_slice %arg3[%dma_wait3A_62, %dma_wait3A_63] : memref<1000000x128xf32, #tpu.memory_space<hbm>> -> memref<64x128xf32, #tpu.memory_space<hbm>>
    %dma_wait3A_65 = arith.constant 0 : i32
    %dma_wait3A_66 = arith.constant 0 : i32
    %dma_wait3A_67 = tpu.memref_slice %arg7[%dma_wait3A_57, %dma_wait3A_65, %dma_wait3A_66] : memref<2x64x128xf32, #tpu.memory_space<vmem>> -> memref<1x64x128xf32, #tpu.memory_space<vmem>>
    %dma_wait3A_68 = tpu.memref_squeeze %dma_wait3A_67 : memref<1x64x128xf32, #tpu.memory_space<vmem>> -> memref<64x128xf32, #tpu.memory_space<vmem>>
    %dma_wait3A_69 = arith.constant 0 : i32
    %dma_wait3A_70 = arith.constant 0 : i32
    %dma_wait3A_71 = tpu.memref_slice %arg3[%dma_wait3A_69, %dma_wait3A_70] : memref<1000000x128xf32, #tpu.memory_space<hbm>> -> memref<64x128xf32, #tpu.memory_space<hbm>>
    tpu.wait_dma2 semaphore(%arg11 : memref<!tpu.dma_semaphore, #tpu.memory_space<semaphore_mem>>) src(%dma_wait3A_71 : memref<64x128xf32, #tpu.memory_space<hbm>>) dst(%dma_wait3A_68 : memref<64x128xf32, #tpu.memory_space<vmem>>)
    return
  }
}

</mosaic_0001>

<sc_bundles>
// kernel: kernel.3.cloned.1.call-start
scs
__scs_entry_jumppad:
0x0: {  	(pc) =	sbr.rel $0x88, $3  }
0x1: {  	(tag) =	ssettag $0x0;
	lr =	simm.s32 $0x1  }
0x2: {  	[smem:$0x3F9F] =	sst lr;
	_ =	strace $0xD0000000  }
0x3: {  	_ = 	snop  }
0x4: {  	_ = 	snop  }
0x5: {  	_ = 	snop  }
0x6: {  	_ = 	snop  }
0x7: {  	_ = 	snop  }
__scs_overlays_trampoline_lowered:
0x8: {  	[smem:$0x3FAE] =	sst s0  }
0x9: {  	[smem:$0x3FAF] =	sst s1  }
0xa: {  	[smem:$0x3FB0] =	sst s2  }
0xb: {  	[smem:$0x3FB1] =	sst s3  }
0xc: {  	[smem:$0x3FB2] =	sst s4  }
0xd: {  	[smem:$0x3FB3] =	sst s5  }
0xe: {  	[smem:$0x3FB4] =	sst s6  }
0xf: {  	[smem:$0x3FB5] =	sst s7  }
0x10: {  	[smem:$0x3FB6] =	sst s8  }
0x11: {  	[smem:$0x3FB7] =	sst s9;
	s0 =	simm.s32 @!p0 $0x0  }
0x12: {  	s1 =	sld [smem:$0x3F9D];
	s0 =	simm.s32 @p0 $0x1  }
0x13: {  	[smem:$0x3FB8] =	sst s0;
	s0 =	simm.s32 @!p1 $0x0  }
0x14: {  	s2 =	sld [smem:$0x3F9C];
	s0 =	simm.s32 @p1 $0x1  }
0x15: {  	[smem:$0x3FB9] =	sst s0;
	s0 =	simm.s32 @!p2 $0x0  }
0x16: {  	s3 =	sld [smem:$0x3FDB];
	s0 =	simm.s32 @p2 $0x1  }
0x17: {  	s4 =	simm.s32 $0x1BF5;
	[smem:$0x3FBB] =	sst s0  }
0x18: {  	s0 =	sld [smem:$0x3F9E];
	_ =	swait.ge [sflag:s4], $0x0  }
0x19: {  	s7 =	sld [smem:$0x3F9F]  }
0x1a: {  	s8 =	sadd.s32 $0xFFFFE003, lr  }
0x1b: {  	s9 =	sadd.s32 $0xFFFFFEF7, lr;
	s5 =	simm.s32 $0xFFFFFFFF;
	p2 =	slt.u32 s8, $0xFFFFF086  }
0x1c: {  	p1 =	slt.u32 s9, $0xF7A;
	s5 =	simm.s32 @!p2 $0x0  }
0x1d: {  	s5 =	simm.s32 @p1 $0x1;
	p0 =	seq.s32 s7, s2  }
0x1e: {  	s7 =	smul.u32 @!p0 $0xF7A, s2;
	p2 =	seq.s32 @!p0 s5, $0x0  }
0x1f: {  	s9 =	smul.u32 $0xF7A, s1;
	s8 =	simm.s32 @!p0 $0x1BF5;
	p2 =	por !p2, p0  }
0x20: {  	[sflag:s8] =	ssyncset.s32 @!p0 $0xFFFFF086;
	s6 =	sadd.s32 @!p0 s3, s7;
	s7 =	simm.s32 @!p0 $0x108  }
0x21: {  	s3 =	sadd.s32 s3, s9;
	s6 =	sadd.s32 @!p0 $0x88, s6;
	s7 =	simm.s32 @p2 $0x1082  }
0x22: {  	[simem:s7], [sflag:s8] =	dma.local @!p0 [hbm:s6], $0xF7A  }
0x23: {  	s9 =	sor.u32 $0xD0000000, s2;
	s6 =	simm.s32 $0x108;
	_ =	swait.ge @!p0 [sflag:s8], $0x0  }
0x24: {  	s3 =	sadd.s32 $0x88, s3;
	s6 =	simm.s32 @!p1 $0x1082;
	[sflag:s4] =	ssyncset.s32 $0xFFFFF086  }
0x25: {  	[simem:s6], [sflag:s4] =	dma.local [hbm:s3], $0xF7A  }
0x26: {  	[smem:$0x3F9F] =	sst s1;
	(tag) =	ssettag s2;
	_ =	strace s9  }
0x27: {  	s1 =	sld [smem:$0x3FAF]  }
0x28: {  	s2 =	sld [smem:$0x3FB0]  }
0x29: {  	s4 =	sld [smem:$0x3FB2]  }
0x2a: {  	p0 =	seq.s32 s5, $0x0;
	s5 =	sld [smem:$0x3FB3]  }
0x2b: {  	s6 =	sld [smem:$0x3FB4]  }
0x2c: {  	s7 =	sld [smem:$0x3FB5]  }
0x2d: {  	s3 =	simm.s32 $0x108;
	s8 =	sld [smem:$0x3FB6]  }
0x2e: {  	s3 =	simm.s32 @!p0 $0x1082;
	s9 =	sld [smem:$0x3FB7]  }
0x2f: {  	lr =	sadd.s32 s0, s3;
	s0 =	sld [smem:$0x3FAE]  }
0x30: {  	s3 =	sld [smem:$0x3FB1]  }
0x31: {  	[smem:$0x3FBA] =	sst s10  }
0x32: {  	s10 =	sld [smem:$0x3FB8];
	_ =	sdelay $0x3  }
0x33: {  	p0 =	seq.s32 s10, $0x1;
	s10 =	sld [smem:$0x3FBA];
	_ =	sdelay $0x3  }
0x34: {  	[smem:$0x3FBA] =	sst s10  }
0x35: {  	s10 =	sld [smem:$0x3FB9];
	_ =	sdelay $0x3  }
0x36: {  	p1 =	seq.s32 s10, $0x1;
	s10 =	sld [smem:$0x3FBA];
	_ =	sdelay $0x3  }
0x37: {  	[smem:$0x3FBA] =	sst s10  }
0x38: {  	s10 =	sld [smem:$0x3FBB]  }
0x39: {  	_ = 	snop;
	(pc) =	sbr.ind lr, $3  }
0x3a: {  	_ = 	snop  }
0x3b: {  	_ = 	snop  }
0x3c: {  	p2 =	seq.s32 s10, $0x1;
	s10 =	sld [smem:$0x3FBA]  }
0x3d: {  	_ =	shalt  }
0x3e: {  	_ =	shalt  }
0x3f: {  	_ =	shalt  }
0x40: {  	_ =	shalt  }
0x41: {  	_ =	shalt  }
0x42: {  	_ =	shalt  }
0x43: {  	_ =	shalt  }
0x44: {  	_ =	shalt  }
0x45: {  	_ =	shalt  }
0x46: {  	_ =	shalt  }
0x47: {  	_ =	shalt  }
0x48: {  	_ =	shalt  }
0x49: {  	_ =	shalt  }
0x4a: {  	_ =	shalt  }
0x4b: {  	_ =	shalt  }
0x4c: {  	_ =	shalt  }
0x4d: {  	_ =	shalt  }
0x4e: {  	_ =	shalt  }
0x4f: {  	_ =	shalt  }
0x50: {  	_ =	shalt  }
0x51: {  	_ =	shalt  }
0x52: {  	_ =	shalt  }
0x53: {  	_ =	shalt  }
0x54: {  	_ =	shalt  }
0x55: {  	_ =	shalt  }
0x56: {  	_ =	shalt  }
0x57: {  	_ =	shalt  }
0x58: {  	_ =	shalt  }
0x59: {  	_ =	shalt  }
0x5a: {  	_ =	shalt  }
0x5b: {  	_ =	shalt  }
0x5c: {  	_ =	shalt  }
0x5d: {  	_ =	shalt  }
0x5e: {  	_ =	shalt  }
0x5f: {  	_ =	shalt  }
0x60: {  	_ =	shalt  }
0x61: {  	_ =	shalt  }
0x62: {  	_ =	shalt  }
0x63: {  	_ =	shalt  }
0x64: {  	_ =	shalt  }
0x65: {  	_ =	shalt  }
0x66: {  	_ =	shalt  }
0x67: {  	_ =	shalt  }
0x68: {  	_ =	shalt  }
0x69: {  	_ =	shalt  }
0x6a: {  	_ =	shalt  }
0x6b: {  	_ =	shalt  }
0x6c: {  	_ =	shalt  }
0x6d: {  	_ =	shalt  }
0x6e: {  	_ =	shalt  }
0x6f: {  	_ =	shalt  }
0x70: {  	_ =	shalt  }
0x71: {  	_ =	shalt  }
0x72: {  	_ =	shalt  }
0x73: {  	_ =	shalt  }
0x74: {  	_ =	shalt  }
0x75: {  	_ =	shalt  }
0x76: {  	_ =	shalt  }
0x77: {  	_ =	shalt  }
0x78: {  	_ =	shalt  }
0x79: {  	_ =	shalt  }
0x7a: {  	_ =	shalt  }
0x7b: {  	_ =	shalt  }
0x7c: {  	_ =	shalt  }
0x7d: {  	_ =	shalt  }
0x7e: {  	_ =	shalt  }
0x7f: {  	_ =	shalt  }
0x80: {  	_ =	shalt  }
0x81: {  	_ =	shalt  }
0x82: {  	_ =	shalt  }
0x83: {  	_ =	shalt  }
0x84: {  	_ =	shalt  }
0x85: {  	_ =	shalt  }
0x86: {  	_ =	shalt  }
0x87: {  	_ =	shalt  }
.Lfunc_end0:
.L_simem_size_0:
called_computation_lowered:
.L_overlay_start_0:
0x88: {  	s2 =	sld [smem:$0x3FD9]  }
0x89: {  	s3 =	sld [smem:$0x3FFE];
	_ =	sdelay $0x1  }
0x8a: {  	s1 =	srdreg.scid  }
0x8b: {  	s0 =	sand.u32 $0x1, s1  }
0x8c: {  	s17 =	sshll.u32 s0, $0xA;
	s2 =	sadd.s32 s3, s2  }
0x8d: {  	s2 =	sadd.s32 s2, s17  }
0x8e: {  	[smem:$0x3FC6] =	sst s2  }
0x8f: {  	_ = 	snop  }
0x90: {  	s2 =	sld [smem:$0x3FC9]  }
0x91: {  	s18 =	sld [smem:$0x3FD0];
	(tm) =	ssettm $0x1  }
0x92: {  	s4 =	sld [smem:$0x3FFB];
	_ =	sdelay $0x3  }
0x93: {  	_ =	strace s4  }
0x94: {  	s4 =	sld [smem:$0x3FFC];
	_ =	sdelay $0x3  }
0x95: {  	_ =	strace s4  }
0x96: {  	s4 =	sld [smem:$0x3FFD];
	_ =	sdelay $0x3  }
0x97: {  	_ =	strace s4  }
0x98: {  	_ =	strace $0x8FFFFFFF  }
0x99: {  	s19 =	sld [smem:$0x3FDB];
	_ =	sdelay $0x1  }
0x9a: {  	s5 =	simm.s32 $_scs_section_size  }
0x9b: {  	s6 =	simm.s32 $_size__tile_overlayer_lowered;
	s7 =	simm.s32 $_tile_overlayer_lowered  }
0x9c: {  	s22 =	simm.s32 $0x1BFF;
	s21 =	sshll.u32 s7, $0x1;
	s4 =	sadd.s32 s5, s19  }
0x9d: {  	s8 =	simm.s32 $0x0;
	s20 =	sshll.u32 s6, $0x1;
	s6 =	sadd.s32 s21, s4  }
0x9e: {  	[timem:s8], [sflag:s22] =	dma.local [hbm:s6], s20  }
0x9f: {  	_ =	swait.ge [sflag:s22], s20  }
0xa0: {  	s5 =	ssub.s32 $0x0, s20;
	[sflag:s22] =	ssyncset.done $0x0  }
0xa1: {  	[sflag:s22] =	ssyncadd.s32 s5;
	_ =	sdelay $0x1  }
0xa2: {  	s23 =	simm.s32 $0x1B8B  }
0xa3: {  	_ =	swait.ge [sflag:s23], $0x1  }
0xa4: {  	[sflag:s23] =	ssyncset.done $0x0  }
0xa5: {  	s25 =	simm.s32 $0x1B8E;
	s24 =	sld [smem:$0x3FFE];
	[sflag:s23] =	ssyncadd.s32 $0xFFFFFFFF  }
0xa6: {  	s26 =	simm.s32 $execute0_lowered;
	[smem:$0x3FD2] =	sst s25  }
0xa7: {  	s6 =	sshll.u32 s26, $0x1;
	_ =	strace $0x80000046;
	[dreg:$0x1] =	wrdreg $0xFFFFFFFF  }
0xa8: {  	s28 =	simm.s32 $_size_execute0_lowered;
	s4 =	sadd.s32 s4, s6;
	[dreg:$0x0] =	wrdreg $0x0  }
0xa9: {  	s6 =	sshll.u32 s28, $0x1;
	[dreg:$0x2] =	wrdreg s4  }
0xaa: {  	[dreg:$0x3] =	wrdreg s6  }
0xab: {  	[dreg:$0x4] =	wrdreg $0xC0  }
0xac: {  	_ =	task [dreg:s8], $0x5FFFF  }
0xad: {  	[dreg:$0x1] =	wrdreg $0xFFFFFFFF  }
0xae: {  	[dreg:$0x0] =	wrdreg $0x60  }
0xaf: {  	[dreg:$0x2] =	wrdreg s2  }
0xb0: {  	[dreg:$0x3] =	wrdreg s24  }
0xb1: {  	[dreg:$0x4] =	wrdreg s18  }
0xb2: {  	[dreg:$0x5] =	wrdreg $0x9  }
0xb3: {  	_ =	task.clear_ibuf [dreg:s8], $0x6FFFF;
	_ =	strace $0x90000046  }
0xb4: {  	s29 =	simm.s32 $0x9;
	_ =	strace $0x80000048  }
0xb5: {  	_ =	swait.ge [sflag:s29], $0x1  }
0xb6: {  	[sflag:s29] =	ssyncadd.s32 $0xFFFFFFFF  }
0xb7: {  	_ =	strace $0x90000048  }
0xb8: {  	_ =	sfence  }
0xb9: {  	s30 =	sld [smem:$0x0];
	_ =	sdelay $0x2  }
0xba: {  	s31 =	sshll.u32 s1, $0xD;
	s1 =	sshrl.u32 s1, $0x2  }
0xbb: {  	s3 =	sand.u32 $0x4000, s31;
	s1 =	sadd.s32 s1, s30  }
0xbc: {  	s0 =	sor.u32 s3, s0;
	s1 =	sshll.u32 s1, $0x11  }
0xbd: {  	s0 =	sor.u32 s1, s0  }
0xbe: {  	s0 =	sadd.s32 $0x8F2B, s0  }
0xbf: {  	[sflag:s0] =	ssyncadd.remote.s32 $0x1  }
0xc0: {  	_ =	sfence.sel $0xFFFF  }
0xc1: {  	[dreg:$0x0] =	wrdreg $0xFFFFFFFF;
	(pc) =	sbr.abs _section_cstart, $3  }
0xc2: {  	[dreg:$0x1] =	wrdreg $0xFFFFFFFF  }
0xc3: {  	_ =	task.clear_ibuf [dreg:s8], $0x2FFFF;
	_ =	strace $0x9FFFFFFF  }
0xc4: {  	(tm) =	ssettm $0x7FFFFFFF  }
0xc5: {  	_ =	shalt  }
tec
execute0_lowered:
.L_overlay_start_1:
0x0: {  	(tag) =	ssettag $0x1  }
0x1: {  	s6 =	rddreg [dreg:$0x0]  }
0x2: {  	s5 =	rddreg [dreg:$0x1]  }
0x3: {  	s1 =	rddreg [dreg:$0x2]  }
0x4: {  	s0 =	rddreg [dreg:$0x3];
	s3 =	simm.s32 $0x0;
	s4 =	srdreg.scid  }
0x5: {  	s2 =	stileid.u32;
	s10 =	simm.s32 $0x5;
	s11 =	simm.s32 $0x80  }
0x6: {  	s12 =	simm.s32 $0x6400;
	s13 =	simm.s32 $0xA400;
	s14 =	simm.s32 $0x1  }
0x7: {  	s15 =	simm.s32 $0xE400;
	s16 =	simm.s32 $0x2;
	s17 =	simm.s32 $0x4  }
0x8: {  	v0 =	vlaneseq.u32;
	s18 =	simm.s32 $0x10400;
	s19 =	simm.s32 $0x3;
	s20 =	simm.s32 $0x0  }
0x9: {  	[smem:$0x7FF] =	sst s3;
	s4 =	sand.u32 $0x1, s4;
	s8 =	sshll.u32 s2, $0xB;
	v0 =	vmul.u32 $0x80, v0  }
0xa: {  	s5 =	sadd.s32 $0xF42800, s5;
	s7 =	ssub.s32 $0x2, s4;
	s4 =	sshll.u32 s4, $0xA  }
0xb: {  	_ =	strace $0x80000047;
	s9 =	sshrl.u32 s7, $0x1;
	s4 =	sor.u32 s4, s8;
	v1 =	vor.u32 $0x800, v0  }
0xc: {  	v2 =	vor.u32 $0x1000, v0;
	v3 =	vor.u32 $0x1800, v0;
	v4 =	vor.u32 $0x2000, v0;
	s7 =	ssub.s32 s7, s9;
	s8 =	sshrl.u32 s4, $0x3;
	s9 =	simm.s32 $0x8000  }
0xd: {  	v5 =	vor.u32 $0x2800, v0;
	v6 =	vor.u32 $0x3000, v0;
	v7 =	vor.u32 $0x3800, v0;
	s6 =	sadd.s32 s6, s8;
	s7 =	smax.u32 s7, $0x1;
	s8 =	simm.s32 $0x400  }
.LBB2_1:
0xe: {  	[tilespmem:s3], [sflag:$0x5] =	stream.strided.gather [hbm4b:s6+s8], $0x6400, s9, s8, $0x38;
	[tilespmem:$0x12400] =	vst v63  }
0xf: {  	_ =	swait.ge [sflag:s10], $0x6400  }
0x10: {  	[sflag:s10] =	ssyncset.done $0x0  }
0x11: {  	s21 =	simm.s32 $0x0;
	[sflag:s10] =	ssyncadd.s32 $0xFFFF9C00  }
0x12: {  	[tilespmem:s12], [sflag:$0x1] =	stream.indirect.gather [hbm4b:s5+s11], $0x80, s3, s11, $0xb8;
	[tilespmem:$0x12400] =	vst v63  }
.LBB2_2:
0x13: {  	s22 =	sshllo.u32 s21, $0x1;
	s23 =	simm.s32 $0x0  }
0x14: {  	s24 =	sshll.u32 s22, $0x7;
	v8 =	vmov s23  }
0x15: {  	s28 =	sand.u32 $0x3FFFFF80, s24;
	v8 =	vand.u32 $0x7C, v8  }
0x16: {  	[tilespmem:s13], [sflag:$0x2] =	stream.indirect.gather [hbm4b:s5+s11], $0x80, s28, s11, $0xb8;
	v8 =	vbroadcast v8, $0x0;
	[tilespmem:$0x12400] =	vst v63  }
0x17: {  	_ =	swait.ge [sflag:s14], $0x4000  }
0x18: {  	p0 =	seq.s32 s21, $0x0;
	[sflag:s14] =	ssyncset.done $0x0;
	v9 =	vor.u32 v0, v8  }
0x19: {  	s23 =	simm.s32 @!p0 $0x3;
	[sflag:s14] =	ssyncadd.s32 $0xFFFFC000  }
0x1a: {  	_ =	swait.ge @!p0 [sflag:s23], $0x2000  }
0x1b: {  	[sflag:s23] =	ssyncset.done @!p0 $0x0  }
0x1c: {  	[sflag:s23] =	ssyncadd.s32 @!p0 $0xFFFFE000  }
0x1d: {  	v9 =	vld.idx.msk [tilespmem:v9+s12+$0x0], $0xffff  }
0x1e: {  	v10 =	vor.u32 v1, v8;
	_ =	sdelay $0x2  }
0x1f: {  	s23 =	simm.s32 $0xE500  }
0x20: {  	[tilespmem:s23+$0xFFFFFF00] =	vst v9  }
0x21: {  	v9 =	vld.idx.msk [tilespmem:v10+s12+$0x0], $0xffff  }
0x22: {  	v10 =	vor.u32 v2, v8;
	_ =	sdelay $0x3  }
0x23: {  	[tilespmem:s23+$0xFFFFFF10] =	vst v9  }
0x24: {  	v9 =	vld.idx.msk [tilespmem:v10+s12+$0x0], $0xffff  }
0x25: {  	v10 =	vor.u32 v3, v8;
	_ =	sdelay $0x3  }
0x26: {  	[tilespmem:s23+$0xFFFFFF20] =	vst v9  }
0x27: {  	v9 =	vld.idx.msk [tilespmem:v10+s12+$0x0], $0xffff  }
0x28: {  	v10 =	vor.u32 v4, v8;
	_ =	sdelay $0x3  }
0x29: {  	[tilespmem:s23+$0xFFFFFF30] =	vst v9  }
0x2a: {  	v9 =	vld.idx.msk [tilespmem:v10+s12+$0x0], $0xffff  }
0x2b: {  	v10 =	vor.u32 v5, v8;
	_ =	sdelay $0x3  }
0x2c: {  	[tilespmem:s23+$0xFFFFFF40] =	vst v9  }
0x2d: {  	v9 =	vld.idx.msk [tilespmem:v10+s12+$0x0], $0xffff  }
0x2e: {  	v10 =	vor.u32 v6, v8;
	_ =	sdelay $0x3  }
0x2f: {  	[tilespmem:s23+$0xFFFFFF50] =	vst v9  }
0x30: {  	v9 =	vld.idx.msk [tilespmem:v10+s12+$0x0], $0xffff  }
0x31: {  	v8 =	vor.u32 v7, v8  }
0x32: {  	s29 =	simm.s32 $0x1  }
0x33: {  	v10 =	vmov s29  }
0x34: {  	v10 =	vand.u32 $0x7D, v10  }
0x35: {  	[tilespmem:s23+$0xFFFFFF60] =	vst v9;
	v9 =	vbroadcast v10, $0x0  }
0x36: {  	v8 =	vld.idx.msk [tilespmem:v8+s12+$0x0], $0xffff  }
0x37: {  	v10 =	vor.u32 v0, v9;
	_ =	sdelay $0x3  }
0x38: {  	[tilespmem:s23+$0xFFFFFF70] =	vst v8  }
0x39: {  	v8 =	vld.idx.msk [tilespmem:v10+s12+$0x0], $0xffff  }
0x3a: {  	v10 =	vor.u32 v1, v9;
	_ =	sdelay $0x3  }
0x3b: {  	[tilespmem:s23+$0xFFFFFF80] =	vst v8  }
0x3c: {  	v8 =	vld.idx.msk [tilespmem:v10+s12+$0x0], $0xffff  }
0x3d: {  	v10 =	vor.u32 v2, v9;
	_ =	sdelay $0x3  }
0x3e: {  	[tilespmem:s23+$0xFFFFFF90] =	vst v8  }
0x3f: {  	v8 =	vld.idx.msk [tilespmem:v10+s12+$0x0], $0xffff  }
0x40: {  	v10 =	vor.u32 v3, v9;
	_ =	sdelay $0x3  }
0x41: {  	[tilespmem:s23+$0xFFFFFFA0] =	vst v8  }
0x42: {  	v8 =	vld.idx.msk [tilespmem:v10+s12+$0x0], $0xffff  }
0x43: {  	v10 =	vor.u32 v4, v9;
	_ =	sdelay $0x3  }
0x44: {  	[tilespmem:s23+$0xFFFFFFB0] =	vst v8  }
0x45: {  	v8 =	vld.idx.msk [tilespmem:v10+s12+$0x0], $0xffff  }
0x46: {  	v10 =	vor.u32 v5, v9;
	_ =	sdelay $0x3  }
0x47: {  	[tilespmem:s23+$0xFFFFFFC0] =	vst v8  }
0x48: {  	v8 =	vld.idx.msk [tilespmem:v10+s12+$0x0], $0xffff  }
0x49: {  	v10 =	vor.u32 v6, v9;
	_ =	sdelay $0x3  }
0x4a: {  	[tilespmem:s23+$0xFFFFFFD0] =	vst v8  }
0x4b: {  	v8 =	vld.idx.msk [tilespmem:v10+s12+$0x0], $0xffff  }
0x4c: {  	v9 =	vor.u32 v7, v9  }
0x4d: {  	s30 =	simm.s32 $0x2  }
0x4e: {  	v10 =	vmov s30  }
0x4f: {  	v10 =	vand.u32 $0x7E, v10  }
0x50: {  	[tilespmem:s23+$0xFFFFFFE0] =	vst v8;
	v8 =	vbroadcast v10, $0x0  }
0x51: {  	v9 =	vld.idx.msk [tilespmem:v9+s12+$0x0], $0xffff  }
0x52: {  	v10 =	vor.u32 v0, v8;
	_ =	sdelay $0x3  }
0x53: {  	[tilespmem:s23+$0xFFFFFFF0] =	vst v9  }
0x54: {  	v9 =	vld.idx.msk [tilespmem:v10+s12+$0x0], $0xffff  }
0x55: {  	v10 =	vor.u32 v1, v8;
	_ =	sdelay $0x3  }
0x56: {  	[tilespmem:s23+$0x0] =	vst v9  }
0x57: {  	v9 =	vld.idx.msk [tilespmem:v10+s12+$0x0], $0xffff  }
0x58: {  	v10 =	vor.u32 v2, v8;
	_ =	sdelay $0x3  }
0x59: {  	[tilespmem:s23+$0x10] =	vst v9  }
0x5a: {  	v9 =	vld.idx.msk [tilespmem:v10+s12+$0x0], $0xffff  }
0x5b: {  	v10 =	vor.u32 v3, v8;
	_ =	sdelay $0x3  }
0x5c: {  	[tilespmem:s23+$0x20] =	vst v9  }
0x5d: {  	v9 =	vld.idx.msk [tilespmem:v10+s12+$0x0], $0xffff  }
0x5e: {  	v10 =	vor.u32 v4, v8;
	_ =	sdelay $0x3  }
0x5f: {  	[tilespmem:s23+$0x30] =	vst v9  }
0x60: {  	v9 =	vld.idx.msk [tilespmem:v10+s12+$0x0], $0xffff  }
0x61: {  	v10 =	vor.u32 v5, v8;
	_ =	sdelay $0x3  }
0x62: {  	[tilespmem:s23+$0x40] =	vst v9  }
0x63: {  	v9 =	vld.idx.msk [tilespmem:v10+s12+$0x0], $0xffff  }
0x64: {  	v10 =	vor.u32 v6, v8;
	_ =	sdelay $0x3  }
0x65: {  	[tilespmem:s23+$0x50] =	vst v9  }
0x66: {  	v9 =	vld.idx.msk [tilespmem:v10+s12+$0x0], $0xffff  }
0x67: {  	v8 =	vor.u32 v7, v8  }
0x68: {  	s31 =	simm.s32 $0x3  }
0x69: {  	v10 =	vmov s31  }
0x6a: {  	v10 =	vand.u32 $0x7F, v10  }
0x6b: {  	v10 =	vbroadcast v10, $0x0;
	[tilespmem:s23+$0x60] =	vst v9  }
0x6c: {  	v8 =	vld.idx.msk [tilespmem:v8+s12+$0x0], $0xffff  }
0x6d: {  	v9 =	vor.u32 v0, v10;
	_ =	sdelay $0x3  }
0x6e: {  	[tilespmem:s23+$0x70] =	vst v8  }
0x6f: {  	v8 =	vld.idx.msk [tilespmem:v9+s12+$0x0], $0xffff  }
0x70: {  	v9 =	vor.u32 v1, v10;
	_ =	sdelay $0x3  }
0x71: {  	[tilespmem:s23+$0x80] =	vst v8  }
0x72: {  	v8 =	vld.idx.msk [tilespmem:v9+s12+$0x0], $0xffff  }
0x73: {  	v9 =	vor.u32 v2, v10;
	_ =	sdelay $0x3  }
0x74: {  	[tilespmem:s23+$0x90] =	vst v8  }
0x75: {  	v8 =	vld.idx.msk [tilespmem:v9+s12+$0x0], $0xffff  }
0x76: {  	v9 =	vor.u32 v3, v10;
	_ =	sdelay $0x3  }
0x77: {  	[tilespmem:s23+$0xA0] =	vst v8  }
0x78: {  	v8 =	vld.idx.msk [tilespmem:v9+s12+$0x0], $0xffff  }
0x79: {  	v9 =	vor.u32 v4, v10;
	_ =	sdelay $0x3  }
0x7a: {  	[tilespmem:s23+$0xB0] =	vst v8  }
0x7b: {  	v8 =	vld.idx.msk [tilespmem:v9+s12+$0x0], $0xffff  }
0x7c: {  	v9 =	vor.u32 v5, v10;
	_ =	sdelay $0x3  }
0x7d: {  	[tilespmem:s23+$0xC0] =	vst v8  }
0x7e: {  	v8 =	vld.idx.msk [tilespmem:v9+s12+$0x0], $0xffff  }
0x7f: {  	v9 =	vor.u32 v6, v10;
	_ =	sdelay $0x3  }
0x80: {  	[tilespmem:s23+$0xD0] =	vst v8  }
0x81: {  	v9 =	vld.idx.msk [tilespmem:v9+s12+$0x0], $0xffff  }
0x82: {  	v8 =	vor.u32 v7, v10;
	_ =	sdelay $0x1  }
0x83: {  	s24 =	simm.s32 $0x4  }
0x84: {  	s25 =	simm.s32 $0x8;
	v10 =	vmov s24  }
.LBB2_3:
0x85: {  	p1 =	sne.s32 s25, $0x3C;
	v10 =	vand.u32 $0x7C, v10;
	[tilespmem:s23+$0xE0] =	vst v9  }
0x86: {  	v9 =	vbroadcast v10, $0x0;
	v8 =	vld.idx.msk [tilespmem:v8+s12+$0x0], $0xffff;
	_ =	sdelay $0x1  }
0x87: {  	v10 =	vor.u32 v0, v9;
	_ =	sdelay $0x3  }
0x88: {  	[tilespmem:s23+$0xF0] =	vst v8  }
0x89: {  	v8 =	vld.idx.msk [tilespmem:v10+s12+$0x0], $0xffff;
	_ =	sdelay $0x1  }
0x8a: {  	v10 =	vor.u32 v1, v9;
	_ =	sdelay $0x2  }
0x8b: {  	s23 =	sadd.s32 $0x200, s23  }
0x8c: {  	[tilespmem:s23+$0xFFFFFF00] =	vst v8  }
0x8d: {  	v8 =	vld.idx.msk [tilespmem:v10+s12+$0x0], $0xffff;
	_ =	sdelay $0x1  }
0x8e: {  	v10 =	vor.u32 v2, v9;
	_ =	sdelay $0x3  }
0x8f: {  	[tilespmem:s23+$0xFFFFFF10] =	vst v8  }
0x90: {  	v8 =	vld.idx.msk [tilespmem:v10+s12+$0x0], $0xffff;
	_ =	sdelay $0x1  }
0x91: {  	v10 =	vor.u32 v3, v9;
	_ =	sdelay $0x3  }
0x92: {  	[tilespmem:s23+$0xFFFFFF20] =	vst v8  }
0x93: {  	v8 =	vld.idx.msk [tilespmem:v10+s12+$0x0], $0xffff;
	_ =	sdelay $0x1  }
0x94: {  	v10 =	vor.u32 v4, v9;
	_ =	sdelay $0x3  }
0x95: {  	[tilespmem:s23+$0xFFFFFF30] =	vst v8  }
0x96: {  	v8 =	vld.idx.msk [tilespmem:v10+s12+$0x0], $0xffff;
	_ =	sdelay $0x1  }
0x97: {  	v10 =	vor.u32 v5, v9;
	_ =	sdelay $0x3  }
0x98: {  	[tilespmem:s23+$0xFFFFFF40] =	vst v8  }
0x99: {  	v8 =	vld.idx.msk [tilespmem:v10+s12+$0x0], $0xffff;
	_ =	sdelay $0x1  }
0x9a: {  	v10 =	vor.u32 v6, v9;
	_ =	sdelay $0x3  }
0x9b: {  	[tilespmem:s23+$0xFFFFFF50] =	vst v8  }
0x9c: {  	v8 =	vld.idx.msk [tilespmem:v10+s12+$0x0], $0xffff;
	_ =	sdelay $0x1  }
0x9d: {  	v9 =	vor.u32 v7, v9;
	_ =	sdelay $0x1  }
0x9e: {  	s26 =	sadd.s32 $0x1, s24  }
0x9f: {  	v10 =	vmov s26  }
0xa0: {  	[tilespmem:s23+$0xFFFFFF60] =	vst v8;
	v8 =	vand.u32 $0x7D, v10  }
0xa1: {  	v9 =	vld.idx.msk [tilespmem:v9+s12+$0x0], $0xffff;
	v8 =	vbroadcast v8, $0x0;
	_ =	sdelay $0x1  }
0xa2: {  	v10 =	vor.u32 v0, v8;
	_ =	sdelay $0x3  }
0xa3: {  	[tilespmem:s23+$0xFFFFFF70] =	vst v9  }
0xa4: {  	v9 =	vld.idx.msk [tilespmem:v10+s12+$0x0], $0xffff;
	_ =	sdelay $0x1  }
0xa5: {  	v10 =	vor.u32 v1, v8;
	_ =	sdelay $0x3  }
0xa6: {  	[tilespmem:s23+$0xFFFFFF80] =	vst v9  }
0xa7: {  	v9 =	vld.idx.msk [tilespmem:v10+s12+$0x0], $0xffff;
	_ =	sdelay $0x1  }
0xa8: {  	v10 =	vor.u32 v2, v8;
	_ =	sdelay $0x3  }
0xa9: {  	[tilespmem:s23+$0xFFFFFF90] =	vst v9  }
0xaa: {  	v9 =	vld.idx.msk [tilespmem:v10+s12+$0x0], $0xffff;
	_ =	sdelay $0x1  }
0xab: {  	v10 =	vor.u32 v3, v8;
	_ =	sdelay $0x3  }
0xac: {  	[tilespmem:s23+$0xFFFFFFA0] =	vst v9  }
0xad: {  	v9 =	vld.idx.msk [tilespmem:v10+s12+$0x0], $0xffff;
	_ =	sdelay $0x1  }
0xae: {  	v10 =	vor.u32 v4, v8;
	_ =	sdelay $0x3  }
0xaf: {  	[tilespmem:s23+$0xFFFFFFB0] =	vst v9  }
0xb0: {  	v9 =	vld.idx.msk [tilespmem:v10+s12+$0x0], $0xffff;
	_ =	sdelay $0x1  }
0xb1: {  	v10 =	vor.u32 v5, v8;
	_ =	sdelay $0x3  }
0xb2: {  	[tilespmem:s23+$0xFFFFFFC0] =	vst v9  }
0xb3: {  	v9 =	vld.idx.msk [tilespmem:v10+s12+$0x0], $0xffff;
	_ =	sdelay $0x1  }
0xb4: {  	v10 =	vor.u32 v6, v8;
	_ =	sdelay $0x3  }
0xb5: {  	[tilespmem:s23+$0xFFFFFFD0] =	vst v9  }
0xb6: {  	v9 =	vld.idx.msk [tilespmem:v10+s12+$0x0], $0xffff;
	_ =	sdelay $0x1  }
0xb7: {  	v8 =	vor.u32 v7, v8;
	_ =	sdelay $0x1  }
0xb8: {  	s26 =	sadd.s32 $0x2, s24  }
0xb9: {  	v10 =	vmov s26  }
0xba: {  	[tilespmem:s23+$0xFFFFFFE0] =	vst v9;
	v9 =	vand.u32 $0x7E, v10  }
0xbb: {  	v8 =	vld.idx.msk [tilespmem:v8+s12+$0x0], $0xffff;
	v9 =	vbroadcast v9, $0x0;
	_ =	sdelay $0x1  }
0xbc: {  	v10 =	vor.u32 v0, v9;
	_ =	sdelay $0x3  }
0xbd: {  	[tilespmem:s23+$0xFFFFFFF0] =	vst v8  }
0xbe: {  	v8 =	vld.idx.msk [tilespmem:v10+s12+$0x0], $0xffff;
	_ =	sdelay $0x1  }
0xbf: {  	v10 =	vor.u32 v1, v9;
	_ =	sdelay $0x3  }
0xc0: {  	[tilespmem:s23+$0x0] =	vst v8  }
0xc1: {  	v8 =	vld.idx.msk [tilespmem:v10+s12+$0x0], $0xffff;
	_ =	sdelay $0x1  }
0xc2: {  	v10 =	vor.u32 v2, v9;
	_ =	sdelay $0x3  }
0xc3: {  	[tilespmem:s23+$0x10] =	vst v8  }
0xc4: {  	v8 =	vld.idx.msk [tilespmem:v10+s12+$0x0], $0xffff;
	_ =	sdelay $0x1  }
0xc5: {  	v10 =	vor.u32 v3, v9;
	_ =	sdelay $0x3  }
0xc6: {  	[tilespmem:s23+$0x20] =	vst v8  }
0xc7: {  	v8 =	vld.idx.msk [tilespmem:v10+s12+$0x0], $0xffff;
	_ =	sdelay $0x1  }
0xc8: {  	v10 =	vor.u32 v4, v9;
	_ =	sdelay $0x3  }
0xc9: {  	[tilespmem:s23+$0x30] =	vst v8  }
0xca: {  	v8 =	vld.idx.msk [tilespmem:v10+s12+$0x0], $0xffff;
	_ =	sdelay $0x1  }
0xcb: {  	v10 =	vor.u32 v5, v9;
	_ =	sdelay $0x3  }
0xcc: {  	[tilespmem:s23+$0x40] =	vst v8  }
0xcd: {  	v8 =	vld.idx.msk [tilespmem:v10+s12+$0x0], $0xffff;
	_ =	sdelay $0x1  }
0xce: {  	v10 =	vor.u32 v6, v9;
	_ =	sdelay $0x3  }
0xcf: {  	[tilespmem:s23+$0x50] =	vst v8  }
0xd0: {  	v8 =	vld.idx.msk [tilespmem:v10+s12+$0x0], $0xffff;
	_ =	sdelay $0x1  }
0xd1: {  	v9 =	vor.u32 v7, v9;
	_ =	sdelay $0x1  }
0xd2: {  	s26 =	sadd.s32 $0x3, s24;
	s24 =	smov.u32 s25  }
0xd3: {  	v10 =	vmov s26  }
0xd4: {  	[tilespmem:s23+$0x60] =	vst v8;
	v8 =	vand.u32 $0x7F, v10  }
0xd5: {  	v9 =	vld.idx.msk [tilespmem:v9+s12+$0x0], $0xffff;
	v8 =	vbroadcast v8, $0x0;
	_ =	sdelay $0x1  }
0xd6: {  	v10 =	vor.u32 v0, v8;
	_ =	sdelay $0x3  }
0xd7: {  	[tilespmem:s23+$0x70] =	vst v9  }
0xd8: {  	v9 =	vld.idx.msk [tilespmem:v10+s12+$0x0], $0xffff;
	_ =	sdelay $0x1  }
0xd9: {  	v10 =	vor.u32 v1, v8;
	_ =	sdelay $0x3  }
0xda: {  	[tilespmem:s23+$0x80] =	vst v9  }
0xdb: {  	v9 =	vld.idx.msk [tilespmem:v10+s12+$0x0], $0xffff;
	_ =	sdelay $0x1  }
0xdc: {  	v10 =	vor.u32 v2, v8;
	_ =	sdelay $0x3  }
0xdd: {  	[tilespmem:s23+$0x90] =	vst v9  }
0xde: {  	v9 =	vld.idx.msk [tilespmem:v10+s12+$0x0], $0xffff;
	_ =	sdelay $0x1  }
0xdf: {  	v10 =	vor.u32 v3, v8;
	_ =	sdelay $0x3  }
0xe0: {  	[tilespmem:s23+$0xA0] =	vst v9  }
0xe1: {  	v9 =	vld.idx.msk [tilespmem:v10+s12+$0x0], $0xffff;
	_ =	sdelay $0x1  }
0xe2: {  	v10 =	vor.u32 v4, v8;
	_ =	sdelay $0x3  }
0xe3: {  	[tilespmem:s23+$0xB0] =	vst v9  }
0xe4: {  	v9 =	vld.idx.msk [tilespmem:v10+s12+$0x0], $0xffff;
	_ =	sdelay $0x1  }
0xe5: {  	v10 =	vor.u32 v5, v8;
	_ =	sdelay $0x3  }
0xe6: {  	[tilespmem:s23+$0xC0] =	vst v9  }
0xe7: {  	v9 =	vld.idx.msk [tilespmem:v10+s12+$0x0], $0xffff;
	_ =	sdelay $0x1  }
0xe8: {  	v10 =	vor.u32 v6, v8;
	_ =	sdelay $0x3  }
0xe9: {  	[tilespmem:s23+$0xD0] =	vst v9  }
0xea: {  	v9 =	vld.idx.msk [tilespmem:v10+s12+$0x0], $0xffff  }
.Ltmp0:
0xeb: {  	(pc) =	sbr.rel @p1 .LBB2_3-.Ltmp0, $2  }
0xec: {  	v8 =	vor.u32 v7, v8;
	_ =	sdelay $0x2  }
0xed: {  	s25 =	sadd.s32 $0x4, s25;
	v10 =	vmov s24  }
0xee: {  	_ =	sdelay $0x1  }
0xef: {  	v10 =	vand.u32 $0x7C, v10  }
0xf0: {  	[tilespmem:s23+$0xE0] =	vst v9;
	v35 =	vbroadcast v10, $0x0  }
0xf1: {  	v8 =	vld.idx.msk [tilespmem:v8+s12+$0x0], $0xffff  }
0xf2: {  	v10 =	vor.u32 v0, v35;
	_ =	sdelay $0x3  }
0xf3: {  	[tilespmem:s23+$0xF0] =	vst v8  }
0xf4: {  	v8 =	vld.idx.msk [tilespmem:v10+s12+$0x0], $0xffff  }
0xf5: {  	v36 =	vor.u32 v1, v35;
	_ =	sdelay $0x2  }
0xf6: {  	s26 =	sadd.s32 $0x200, s23  }
0xf7: {  	[tilespmem:s26+$0xFFFFFF00] =	vst v8  }
0xf8: {  	v8 =	vld.idx.msk [tilespmem:v36+s12+$0x0], $0xffff  }
0xf9: {  	v37 =	vor.u32 v2, v35;
	_ =	sdelay $0x3  }
0xfa: {  	[tilespmem:s26+$0xFFFFFF10] =	vst v8  }
0xfb: {  	v8 =	vld.idx.msk [tilespmem:v37+s12+$0x0], $0xffff  }
0xfc: {  	v38 =	vor.u32 v3, v35;
	_ =	sdelay $0x3  }
0xfd: {  	[tilespmem:s26+$0xFFFFFF20] =	vst v8  }
0xfe: {  	v8 =	vld.idx.msk [tilespmem:v38+s12+$0x0], $0xffff  }
0xff: {  	v39 =	vor.u32 v4, v35;
	_ =	sdelay $0x3  }
0x100: {  	[tilespmem:s26+$0xFFFFFF30] =	vst v8  }
0x101: {  	v8 =	vld.idx.msk [tilespmem:v39+s12+$0x0], $0xffff  }
0x102: {  	v40 =	vor.u32 v5, v35;
	_ =	sdelay $0x3  }
0x103: {  	[tilespmem:s26+$0xFFFFFF40] =	vst v8  }
0x104: {  	v8 =	vld.idx.msk [tilespmem:v40+s12+$0x0], $0xffff  }
0x105: {  	v41 =	vor.u32 v6, v35;
	_ =	sdelay $0x3  }
0x106: {  	[tilespmem:s26+$0xFFFFFF50] =	vst v8  }
0x107: {  	v8 =	vld.idx.msk [tilespmem:v41+s12+$0x0], $0xffff  }
0x108: {  	v9 =	vor.u32 v7, v35  }
0x109: {  	s25 =	sadd.s32 $0x1, s24  }
0x10a: {  	v42 =	vmov s25  }
0x10b: {  	v10 =	vand.u32 $0x7D, v42  }
0x10c: {  	[tilespmem:s26+$0xFFFFFF60] =	vst v8;
	v8 =	vbroadcast v10, $0x0  }
0x10d: {  	v9 =	vld.idx.msk [tilespmem:v9+s12+$0x0], $0xffff  }
0x10e: {  	v10 =	vor.u32 v0, v8;
	_ =	sdelay $0x3  }
0x10f: {  	[tilespmem:s26+$0xFFFFFF70] =	vst v9  }
0x110: {  	v9 =	vld.idx.msk [tilespmem:v10+s12+$0x0], $0xffff  }
0x111: {  	v43 =	vor.u32 v1, v8;
	_ =	sdelay $0x3  }
0x112: {  	[tilespmem:s26+$0xFFFFFF80] =	vst v9  }
0x113: {  	v9 =	vld.idx.msk [tilespmem:v43+s12+$0x0], $0xffff  }
0x114: {  	v44 =	vor.u32 v2, v8;
	_ =	sdelay $0x3  }
0x115: {  	[tilespmem:s26+$0xFFFFFF90] =	vst v9  }
0x116: {  	v9 =	vld.idx.msk [tilespmem:v44+s12+$0x0], $0xffff  }
0x117: {  	v45 =	vor.u32 v3, v8;
	_ =	sdelay $0x3  }
0x118: {  	[tilespmem:s26+$0xFFFFFFA0] =	vst v9  }
0x119: {  	v9 =	vld.idx.msk [tilespmem:v45+s12+$0x0], $0xffff  }
0x11a: {  	v46 =	vor.u32 v4, v8;
	_ =	sdelay $0x3  }
0x11b: {  	[tilespmem:s26+$0xFFFFFFB0] =	vst v9  }
0x11c: {  	v9 =	vld.idx.msk [tilespmem:v46+s12+$0x0], $0xffff  }
0x11d: {  	v47 =	vor.u32 v5, v8;
	_ =	sdelay $0x3  }
0x11e: {  	[tilespmem:s26+$0xFFFFFFC0] =	vst v9  }
0x11f: {  	v9 =	vld.idx.msk [tilespmem:v47+s12+$0x0], $0xffff  }
0x120: {  	v48 =	vor.u32 v6, v8;
	_ =	sdelay $0x3  }
0x121: {  	[tilespmem:s26+$0xFFFFFFD0] =	vst v9  }
0x122: {  	v9 =	vld.idx.msk [tilespmem:v48+s12+$0x0], $0xffff  }
0x123: {  	v8 =	vor.u32 v7, v8  }
0x124: {  	s28 =	sadd.s32 $0x2, s24  }
0x125: {  	v49 =	vmov s28  }
0x126: {  	v10 =	vand.u32 $0x7E, v49  }
0x127: {  	v50 =	vbroadcast v10, $0x0;
	[tilespmem:s26+$0xFFFFFFE0] =	vst v9  }
0x128: {  	v8 =	vld.idx.msk [tilespmem:v8+s12+$0x0], $0xffff  }
0x129: {  	v10 =	vor.u32 v0, v50;
	_ =	sdelay $0x3  }
0x12a: {  	[tilespmem:s26+$0xFFFFFFF0] =	vst v8  }
0x12b: {  	v8 =	vld.idx.msk [tilespmem:v10+s12+$0x0], $0xffff  }
0x12c: {  	v51 =	vor.u32 v1, v50;
	_ =	sdelay $0x3  }
0x12d: {  	[tilespmem:s26+$0x0] =	vst v8  }
0x12e: {  	v8 =	vld.idx.msk [tilespmem:v51+s12+$0x0], $0xffff  }
0x12f: {  	v52 =	vor.u32 v2, v50;
	_ =	sdelay $0x3  }
0x130: {  	[tilespmem:s26+$0x10] =	vst v8  }
0x131: {  	v8 =	vld.idx.msk [tilespmem:v52+s12+$0x0], $0xffff  }
0x132: {  	v53 =	vor.u32 v3, v50;
	_ =	sdelay $0x3  }
0x133: {  	[tilespmem:s26+$0x20] =	vst v8  }
0x134: {  	v8 =	vld.idx.msk [tilespmem:v53+s12+$0x0], $0xffff  }
0x135: {  	v54 =	vor.u32 v4, v50;
	_ =	sdelay $0x3  }
0x136: {  	[tilespmem:s26+$0x30] =	vst v8  }
0x137: {  	v8 =	vld.idx.msk [tilespmem:v54+s12+$0x0], $0xffff  }
0x138: {  	v55 =	vor.u32 v5, v50;
	_ =	sdelay $0x3  }
0x139: {  	[tilespmem:s26+$0x40] =	vst v8  }
0x13a: {  	v8 =	vld.idx.msk [tilespmem:v55+s12+$0x0], $0xffff  }
0x13b: {  	v56 =	vor.u32 v6, v50;
	_ =	sdelay $0x3  }
0x13c: {  	[tilespmem:s26+$0x50] =	vst v8  }
0x13d: {  	v8 =	vld.idx.msk [tilespmem:v56+s12+$0x0], $0xffff  }
0x13e: {  	v9 =	vor.u32 v7, v50  }
0x13f: {  	s29 =	sadd.s32 $0x3, s24  }
0x140: {  	v57 =	vmov s29  }
0x141: {  	v10 =	vand.u32 $0x7F, v57  }
0x142: {  	[tilespmem:s26+$0x60] =	vst v8;
	v8 =	vbroadcast v10, $0x0  }
0x143: {  	v9 =	vld.idx.msk [tilespmem:v9+s12+$0x0], $0xffff  }
0x144: {  	v10 =	vor.u32 v0, v8;
	_ =	sdelay $0x3  }
0x145: {  	[tilespmem:s26+$0x70] =	vst v9  }
0x146: {  	v9 =	vld.idx.msk [tilespmem:v10+s12+$0x0], $0xffff  }
0x147: {  	v58 =	vor.u32 v1, v8;
	_ =	sdelay $0x3  }
0x148: {  	[tilespmem:s26+$0x80] =	vst v9  }
0x149: {  	v9 =	vld.idx.msk [tilespmem:v58+s12+$0x0], $0xffff  }
0x14a: {  	v59 =	vor.u32 v2, v8;
	_ =	sdelay $0x3  }
0x14b: {  	[tilespmem:s26+$0x90] =	vst v9  }
0x14c: {  	v9 =	vld.idx.msk [tilespmem:v59+s12+$0x0], $0xffff  }
0x14d: {  	v60 =	vor.u32 v3, v8;
	_ =	sdelay $0x3  }
0x14e: {  	[tilespmem:s26+$0xA0] =	vst v9  }
0x14f: {  	v9 =	vld.idx.msk [tilespmem:v60+s12+$0x0], $0xffff  }
0x150: {  	v61 =	vor.u32 v4, v8;
	_ =	sdelay $0x3  }
0x151: {  	[tilespmem:s26+$0xB0] =	vst v9  }
0x152: {  	v9 =	vld.idx.msk [tilespmem:v61+s12+$0x0], $0xffff  }
0x153: {  	v62 =	vor.u32 v5, v8;
	_ =	sdelay $0x3  }
0x154: {  	[tilespmem:s26+$0xC0] =	vst v9  }
0x155: {  	v9 =	vld.idx.msk [tilespmem:v62+s12+$0x0], $0xffff  }
0x156: {  	v63 =	vor.u32 v6, v8;
	_ =	sdelay $0x3  }
0x157: {  	[tilespmem:s26+$0xD0] =	vst v9  }
0x158: {  	v9 =	vld.idx.msk [tilespmem:v63+s12+$0x0], $0xffff  }
0x159: {  	v8 =	vor.u32 v7, v8;
	_ =	sdelay $0x3  }
0x15a: {  	[tilespmem:s26+$0xE0] =	vst v9  }
0x15b: {  	v8 =	vld.idx.msk [tilespmem:v8+s12+$0x0], $0xffff  }
0x15c: {  	p1 =	sne.s32 s21, $0x63  }
.Ltmp1:
0x15d: {  	s30 =	sshll.u32 s21, $0x13;
	(pc) =	sbr.rel @p1 .LBB2_6-.Ltmp1, $4  }
0x15e: {  	s24 =	sor.u32 s4, s30  }
0x15f: {  	s24 =	sshrl.u32 s24, $0x3  }
0x160: {  	s31 =	sadd.s32 s1, s24;
	[tilespmem:s26+$0xF0] =	vst v8  }
0x161: {  	[hbm4b:s31+s8] =	stream.strided.scatter [tilespmem:s15], [sflag:$0x3], $0x2000, s9, s8, $0x38;
	[tilespmem:$0x12400] =	vst v63  }
.Ltmp2:
0x162: {  	(pc) =	sbr.rel .LBB2_7-.Ltmp2, $4  }
0x163: {  	_ = 	snop  }
0x164: {  	_ =	swait.ge [sflag:s16], $0x4000  }
0x165: {  	[sflag:s16] =	ssyncset.done $0x0  }
0x166: {  	[sflag:s16] =	ssyncadd.s32 $0xFFFFC000  }
.LBB2_6:
0x167: {  	s23 =	sshll.u32 s21, $0x8  }
0x168: {  	s23 =	sand.u32 $0x3FFFFF00, s23  }
.Ltmp3:
0x169: {  	s23 =	sadd.s32 $0x100, s23;
	(pc) =	sbr.rel @p0 .LBB2_8-.Ltmp3, $4  }
0x16a: {  	[tilespmem:s12], [sflag:$0x1] =	stream.indirect.gather [hbm4b:s5+s11], $0x80, s23, s11, $0xb8;
	[tilespmem:$0x12400] =	vst v63  }
0x16b: {  	_ =	swait.ge [sflag:s16], $0x4000  }
0x16c: {  	[sflag:s16] =	ssyncset.done $0x0  }
0x16d: {  	[sflag:s16] =	ssyncadd.s32 $0xFFFFC000  }
.LBB2_7:
0x16e: {  	_ =	swait.ge [sflag:s17], $0x2000  }
0x16f: {  	[sflag:s17] =	ssyncset.done $0x0  }
0x170: {  	[sflag:s17] =	ssyncadd.s32 $0xFFFFE000  }
.LBB2_8:
0x171: {  	s23 =	simm.s32 $0x0  }
0x172: {  	v8 =	vmov s23  }
0x173: {  	v8 =	vand.u32 $0x7C, v8  }
0x174: {  	v8 =	vbroadcast v8, $0x0;
	_ =	sdelay $0x1  }
0x175: {  	v9 =	vor.u32 v0, v8;
	_ =	sdelay $0x4  }
0x176: {  	v9 =	vld.idx.msk [tilespmem:v9+s13+$0x0], $0xffff  }
0x177: {  	v10 =	vor.u32 v1, v8;
	_ =	sdelay $0x2  }
0x178: {  	s23 =	simm.s32 $0x105F0  }
0x179: {  	[tilespmem:s23+$0xFFFFFE10] =	vst v9  }
0x17a: {  	v9 =	vld.idx.msk [tilespmem:v10+s13+$0x0], $0xffff  }
0x17b: {  	v10 =	vor.u32 v2, v8;
	_ =	sdelay $0x3  }
0x17c: {  	[tilespmem:s23+$0xFFFFFE20] =	vst v9  }
0x17d: {  	v9 =	vld.idx.msk [tilespmem:v10+s13+$0x0], $0xffff  }
0x17e: {  	v10 =	vor.u32 v3, v8;
	_ =	sdelay $0x3  }
0x17f: {  	[tilespmem:s23+$0xFFFFFE30] =	vst v9  }
0x180: {  	v9 =	vld.idx.msk [tilespmem:v10+s13+$0x0], $0xffff  }
0x181: {  	v10 =	vor.u32 v4, v8;
	_ =	sdelay $0x3  }
0x182: {  	[tilespmem:s23+$0xFFFFFE40] =	vst v9  }
0x183: {  	v9 =	vld.idx.msk [tilespmem:v10+s13+$0x0], $0xffff  }
0x184: {  	v10 =	vor.u32 v5, v8;
	_ =	sdelay $0x3  }
0x185: {  	[tilespmem:s23+$0xFFFFFE50] =	vst v9  }
0x186: {  	v9 =	vld.idx.msk [tilespmem:v10+s13+$0x0], $0xffff  }
0x187: {  	v10 =	vor.u32 v6, v8;
	_ =	sdelay $0x3  }
0x188: {  	[tilespmem:s23+$0xFFFFFE60] =	vst v9  }
0x189: {  	v9 =	vld.idx.msk [tilespmem:v10+s13+$0x0], $0xffff  }
0x18a: {  	v8 =	vor.u32 v7, v8  }
0x18b: {  	s24 =	simm.s32 $0x1  }
0x18c: {  	v10 =	vmov s24  }
0x18d: {  	v10 =	vand.u32 $0x7D, v10  }
0x18e: {  	[tilespmem:s23+$0xFFFFFE70] =	vst v9;
	v9 =	vbroadcast v10, $0x0  }
0x18f: {  	v8 =	vld.idx.msk [tilespmem:v8+s13+$0x0], $0xffff  }
0x190: {  	v10 =	vor.u32 v0, v9;
	_ =	sdelay $0x3  }
0x191: {  	[tilespmem:s23+$0xFFFFFE80] =	vst v8  }
0x192: {  	v8 =	vld.idx.msk [tilespmem:v10+s13+$0x0], $0xffff  }
0x193: {  	v10 =	vor.u32 v1, v9;
	_ =	sdelay $0x3  }
0x194: {  	[tilespmem:s23+$0xFFFFFE90] =	vst v8  }
0x195: {  	v8 =	vld.idx.msk [tilespmem:v10+s13+$0x0], $0xffff  }
0x196: {  	v10 =	vor.u32 v2, v9;
	_ =	sdelay $0x3  }
0x197: {  	[tilespmem:s23+$0xFFFFFEA0] =	vst v8  }
0x198: {  	v8 =	vld.idx.msk [tilespmem:v10+s13+$0x0], $0xffff  }
0x199: {  	v10 =	vor.u32 v3, v9;
	_ =	sdelay $0x3  }
0x19a: {  	[tilespmem:s23+$0xFFFFFEB0] =	vst v8  }
0x19b: {  	v8 =	vld.idx.msk [tilespmem:v10+s13+$0x0], $0xffff  }
0x19c: {  	v10 =	vor.u32 v4, v9;
	_ =	sdelay $0x3  }
0x19d: {  	[tilespmem:s23+$0xFFFFFEC0] =	vst v8  }
0x19e: {  	v8 =	vld.idx.msk [tilespmem:v10+s13+$0x0], $0xffff  }
0x19f: {  	v10 =	vor.u32 v5, v9;
	_ =	sdelay $0x3  }
0x1a0: {  	[tilespmem:s23+$0xFFFFFED0] =	vst v8  }
0x1a1: {  	v8 =	vld.idx.msk [tilespmem:v10+s13+$0x0], $0xffff  }
0x1a2: {  	v10 =	vor.u32 v6, v9;
	_ =	sdelay $0x3  }
0x1a3: {  	[tilespmem:s23+$0xFFFFFEE0] =	vst v8  }
0x1a4: {  	v8 =	vld.idx.msk [tilespmem:v10+s13+$0x0], $0xffff  }
0x1a5: {  	v9 =	vor.u32 v7, v9  }
0x1a6: {  	s30 =	simm.s32 $0x2  }
0x1a7: {  	v10 =	vmov s30  }
0x1a8: {  	v10 =	vand.u32 $0x7E, v10  }
0x1a9: {  	[tilespmem:s23+$0xFFFFFEF0] =	vst v8;
	v8 =	vbroadcast v10, $0x0  }
0x1aa: {  	v9 =	vld.idx.msk [tilespmem:v9+s13+$0x0], $0xffff  }
0x1ab: {  	v10 =	vor.u32 v0, v8;
	_ =	sdelay $0x3  }
0x1ac: {  	[tilespmem:s23+$0xFFFFFF00] =	vst v9  }
0x1ad: {  	v9 =	vld.idx.msk [tilespmem:v10+s13+$0x0], $0xffff  }
0x1ae: {  	v10 =	vor.u32 v1, v8;
	_ =	sdelay $0x3  }
0x1af: {  	[tilespmem:s23+$0xFFFFFF10] =	vst v9  }
0x1b0: {  	v9 =	vld.idx.msk [tilespmem:v10+s13+$0x0], $0xffff  }
0x1b1: {  	v10 =	vor.u32 v2, v8;
	_ =	sdelay $0x3  }
0x1b2: {  	[tilespmem:s23+$0xFFFFFF20] =	vst v9  }
0x1b3: {  	v9 =	vld.idx.msk [tilespmem:v10+s13+$0x0], $0xffff  }
0x1b4: {  	v10 =	vor.u32 v3, v8;
	_ =	sdelay $0x3  }
0x1b5: {  	[tilespmem:s23+$0xFFFFFF30] =	vst v9  }
0x1b6: {  	v9 =	vld.idx.msk [tilespmem:v10+s13+$0x0], $0xffff  }
0x1b7: {  	v10 =	vor.u32 v4, v8;
	_ =	sdelay $0x3  }
0x1b8: {  	[tilespmem:s23+$0xFFFFFF40] =	vst v9  }
0x1b9: {  	v9 =	vld.idx.msk [tilespmem:v10+s13+$0x0], $0xffff  }
0x1ba: {  	v10 =	vor.u32 v5, v8;
	_ =	sdelay $0x3  }
0x1bb: {  	[tilespmem:s23+$0xFFFFFF50] =	vst v9  }
0x1bc: {  	v9 =	vld.idx.msk [tilespmem:v10+s13+$0x0], $0xffff  }
0x1bd: {  	v10 =	vor.u32 v6, v8;
	_ =	sdelay $0x3  }
0x1be: {  	[tilespmem:s23+$0xFFFFFF60] =	vst v9  }
0x1bf: {  	v9 =	vld.idx.msk [tilespmem:v10+s13+$0x0], $0xffff  }
0x1c0: {  	v8 =	vor.u32 v7, v8  }
0x1c1: {  	s31 =	simm.s32 $0x3  }
0x1c2: {  	v10 =	vmov s31  }
0x1c3: {  	v10 =	vand.u32 $0x7F, v10  }
0x1c4: {  	v10 =	vbroadcast v10, $0x0;
	[tilespmem:s23+$0xFFFFFF70] =	vst v9  }
0x1c5: {  	v8 =	vld.idx.msk [tilespmem:v8+s13+$0x0], $0xffff  }
0x1c6: {  	v9 =	vor.u32 v0, v10;
	_ =	sdelay $0x3  }
0x1c7: {  	[tilespmem:s23+$0xFFFFFF80] =	vst v8  }
0x1c8: {  	v8 =	vld.idx.msk [tilespmem:v9+s13+$0x0], $0xffff  }
0x1c9: {  	v9 =	vor.u32 v1, v10;
	_ =	sdelay $0x3  }
0x1ca: {  	[tilespmem:s23+$0xFFFFFF90] =	vst v8  }
0x1cb: {  	v8 =	vld.idx.msk [tilespmem:v9+s13+$0x0], $0xffff  }
0x1cc: {  	v9 =	vor.u32 v2, v10;
	_ =	sdelay $0x3  }
0x1cd: {  	[tilespmem:s23+$0xFFFFFFA0] =	vst v8  }
0x1ce: {  	v8 =	vld.idx.msk [tilespmem:v9+s13+$0x0], $0xffff  }
0x1cf: {  	v9 =	vor.u32 v3, v10;
	_ =	sdelay $0x3  }
0x1d0: {  	[tilespmem:s23+$0xFFFFFFB0] =	vst v8  }
0x1d1: {  	v8 =	vld.idx.msk [tilespmem:v9+s13+$0x0], $0xffff  }
0x1d2: {  	v9 =	vor.u32 v4, v10;
	_ =	sdelay $0x3  }
0x1d3: {  	[tilespmem:s23+$0xFFFFFFC0] =	vst v8  }
0x1d4: {  	v8 =	vld.idx.msk [tilespmem:v9+s13+$0x0], $0xffff  }
0x1d5: {  	v9 =	vor.u32 v5, v10;
	_ =	sdelay $0x3  }
0x1d6: {  	[tilespmem:s23+$0xFFFFFFD0] =	vst v8  }
0x1d7: {  	v8 =	vld.idx.msk [tilespmem:v9+s13+$0x0], $0xffff  }
0x1d8: {  	v9 =	vor.u32 v6, v10;
	_ =	sdelay $0x3  }
0x1d9: {  	[tilespmem:s23+$0xFFFFFFE0] =	vst v8  }
0x1da: {  	v9 =	vld.idx.msk [tilespmem:v9+s13+$0x0], $0xffff  }
0x1db: {  	v8 =	vor.u32 v7, v10;
	_ =	sdelay $0x1  }
0x1dc: {  	s24 =	simm.s32 $0x4  }
0x1dd: {  	s25 =	simm.s32 $0x8;
	v10 =	vmov s24  }
.LBB2_9:
0x1de: {  	p0 =	sne.s32 s25, $0x3C;
	v10 =	vand.u32 $0x7C, v10;
	[tilespmem:s23+$0xFFFFFFF0] =	vst v9  }
0x1df: {  	v9 =	vbroadcast v10, $0x0;
	v8 =	vld.idx.msk [tilespmem:v8+s13+$0x0], $0xffff;
	_ =	sdelay $0x1  }
0x1e0: {  	v10 =	vor.u32 v0, v9;
	_ =	sdelay $0x3  }
0x1e1: {  	[tilespmem:s23+$0x0] =	vst v8  }
0x1e2: {  	v8 =	vld.idx.msk [tilespmem:v10+s13+$0x0], $0xffff;
	_ =	sdelay $0x1  }
0x1e3: {  	v10 =	vor.u32 v1, v9;
	_ =	sdelay $0x2  }
0x1e4: {  	s23 =	sadd.s32 $0x200, s23  }
0x1e5: {  	[tilespmem:s23+$0xFFFFFE10] =	vst v8  }
0x1e6: {  	v8 =	vld.idx.msk [tilespmem:v10+s13+$0x0], $0xffff;
	_ =	sdelay $0x1  }
0x1e7: {  	v10 =	vor.u32 v2, v9;
	_ =	sdelay $0x3  }
0x1e8: {  	[tilespmem:s23+$0xFFFFFE20] =	vst v8  }
0x1e9: {  	v8 =	vld.idx.msk [tilespmem:v10+s13+$0x0], $0xffff;
	_ =	sdelay $0x1  }
0x1ea: {  	v10 =	vor.u32 v3, v9;
	_ =	sdelay $0x3  }
0x1eb: {  	[tilespmem:s23+$0xFFFFFE30] =	vst v8  }
0x1ec: {  	v8 =	vld.idx.msk [tilespmem:v10+s13+$0x0], $0xffff;
	_ =	sdelay $0x1  }
0x1ed: {  	v10 =	vor.u32 v4, v9;
	_ =	sdelay $0x3  }
0x1ee: {  	[tilespmem:s23+$0xFFFFFE40] =	vst v8  }
0x1ef: {  	v8 =	vld.idx.msk [tilespmem:v10+s13+$0x0], $0xffff;
	_ =	sdelay $0x1  }
0x1f0: {  	v10 =	vor.u32 v5, v9;
	_ =	sdelay $0x3  }
0x1f1: {  	[tilespmem:s23+$0xFFFFFE50] =	vst v8  }
0x1f2: {  	v8 =	vld.idx.msk [tilespmem:v10+s13+$0x0], $0xffff;
	_ =	sdelay $0x1  }
0x1f3: {  	v10 =	vor.u32 v6, v9;
	_ =	sdelay $0x3  }
0x1f4: {  	[tilespmem:s23+$0xFFFFFE60] =	vst v8  }
0x1f5: {  	v8 =	vld.idx.msk [tilespmem:v10+s13+$0x0], $0xffff;
	_ =	sdelay $0x1  }
0x1f6: {  	v9 =	vor.u32 v7, v9;
	_ =	sdelay $0x1  }
0x1f7: {  	s26 =	sadd.s32 $0x1, s24  }
0x1f8: {  	v10 =	vmov s26  }
0x1f9: {  	[tilespmem:s23+$0xFFFFFE70] =	vst v8;
	v8 =	vand.u32 $0x7D, v10  }
0x1fa: {  	v9 =	vld.idx.msk [tilespmem:v9+s13+$0x0], $0xffff;
	v8 =	vbroadcast v8, $0x0;
	_ =	sdelay $0x1  }
0x1fb: {  	v10 =	vor.u32 v0, v8;
	_ =	sdelay $0x3  }
0x1fc: {  	[tilespmem:s23+$0xFFFFFE80] =	vst v9  }
0x1fd: {  	v9 =	vld.idx.msk [tilespmem:v10+s13+$0x0], $0xffff;
	_ =	sdelay $0x1  }
0x1fe: {  	v10 =	vor.u32 v1, v8;
	_ =	sdelay $0x3  }
0x1ff: {  	[tilespmem:s23+$0xFFFFFE90] =	vst v9  }
0x200: {  	v9 =	vld.idx.msk [tilespmem:v10+s13+$0x0], $0xffff;
	_ =	sdelay $0x1  }
0x201: {  	v10 =	vor.u32 v2, v8;
	_ =	sdelay $0x3  }
0x202: {  	[tilespmem:s23+$0xFFFFFEA0] =	vst v9  }
0x203: {  	v9 =	vld.idx.msk [tilespmem:v10+s13+$0x0], $0xffff;
	_ =	sdelay $0x1  }
0x204: {  	v10 =	vor.u32 v3, v8;
	_ =	sdelay $0x3  }
0x205: {  	[tilespmem:s23+$0xFFFFFEB0] =	vst v9  }
0x206: {  	v9 =	vld.idx.msk [tilespmem:v10+s13+$0x0], $0xffff;
	_ =	sdelay $0x1  }
0x207: {  	v10 =	vor.u32 v4, v8;
	_ =	sdelay $0x3  }
0x208: {  	[tilespmem:s23+$0xFFFFFEC0] =	vst v9  }
0x209: {  	v9 =	vld.idx.msk [tilespmem:v10+s13+$0x0], $0xffff;
	_ =	sdelay $0x1  }
0x20a: {  	v10 =	vor.u32 v5, v8;
	_ =	sdelay $0x3  }
0x20b: {  	[tilespmem:s23+$0xFFFFFED0] =	vst v9  }
0x20c: {  	v9 =	vld.idx.msk [tilespmem:v10+s13+$0x0], $0xffff;
	_ =	sdelay $0x1  }
0x20d: {  	v10 =	vor.u32 v6, v8;
	_ =	sdelay $0x3  }
0x20e: {  	[tilespmem:s23+$0xFFFFFEE0] =	vst v9  }
0x20f: {  	v9 =	vld.idx.msk [tilespmem:v10+s13+$0x0], $0xffff;
	_ =	sdelay $0x1  }
0x210: {  	v8 =	vor.u32 v7, v8;
	_ =	sdelay $0x1  }
0x211: {  	s26 =	sadd.s32 $0x2, s24  }
0x212: {  	v10 =	vmov s26  }
0x213: {  	[tilespmem:s23+$0xFFFFFEF0] =	vst v9;
	v9 =	vand.u32 $0x7E, v10  }
0x214: {  	v8 =	vld.idx.msk [tilespmem:v8+s13+$0x0], $0xffff;
	v9 =	vbroadcast v9, $0x0;
	_ =	sdelay $0x1  }
0x215: {  	v10 =	vor.u32 v0, v9;
	_ =	sdelay $0x3  }
0x216: {  	[tilespmem:s23+$0xFFFFFF00] =	vst v8  }
0x217: {  	v8 =	vld.idx.msk [tilespmem:v10+s13+$0x0], $0xffff;
	_ =	sdelay $0x1  }
0x218: {  	v10 =	vor.u32 v1, v9;
	_ =	sdelay $0x3  }
0x219: {  	[tilespmem:s23+$0xFFFFFF10] =	vst v8  }
0x21a: {  	v8 =	vld.idx.msk [tilespmem:v10+s13+$0x0], $0xffff;
	_ =	sdelay $0x1  }
0x21b: {  	v10 =	vor.u32 v2, v9;
	_ =	sdelay $0x3  }
0x21c: {  	[tilespmem:s23+$0xFFFFFF20] =	vst v8  }
0x21d: {  	v8 =	vld.idx.msk [tilespmem:v10+s13+$0x0], $0xffff;
	_ =	sdelay $0x1  }
0x21e: {  	v10 =	vor.u32 v3, v9;
	_ =	sdelay $0x3  }
0x21f: {  	[tilespmem:s23+$0xFFFFFF30] =	vst v8  }
0x220: {  	v8 =	vld.idx.msk [tilespmem:v10+s13+$0x0], $0xffff;
	_ =	sdelay $0x1  }
0x221: {  	v10 =	vor.u32 v4, v9;
	_ =	sdelay $0x3  }
0x222: {  	[tilespmem:s23+$0xFFFFFF40] =	vst v8  }
0x223: {  	v8 =	vld.idx.msk [tilespmem:v10+s13+$0x0], $0xffff;
	_ =	sdelay $0x1  }
0x224: {  	v10 =	vor.u32 v5, v9;
	_ =	sdelay $0x3  }
0x225: {  	[tilespmem:s23+$0xFFFFFF50] =	vst v8  }
0x226: {  	v8 =	vld.idx.msk [tilespmem:v10+s13+$0x0], $0xffff;
	_ =	sdelay $0x1  }
0x227: {  	v10 =	vor.u32 v6, v9;
	_ =	sdelay $0x3  }
0x228: {  	[tilespmem:s23+$0xFFFFFF60] =	vst v8  }
0x229: {  	v8 =	vld.idx.msk [tilespmem:v10+s13+$0x0], $0xffff;
	_ =	sdelay $0x1  }
0x22a: {  	v9 =	vor.u32 v7, v9;
	_ =	sdelay $0x1  }
0x22b: {  	s26 =	sadd.s32 $0x3, s24;
	s24 =	smov.u32 s25  }
0x22c: {  	v10 =	vmov s26  }
0x22d: {  	[tilespmem:s23+$0xFFFFFF70] =	vst v8;
	v8 =	vand.u32 $0x7F, v10  }
0x22e: {  	v9 =	vld.idx.msk [tilespmem:v9+s13+$0x0], $0xffff;
	v8 =	vbroadcast v8, $0x0;
	_ =	sdelay $0x1  }
0x22f: {  	v10 =	vor.u32 v0, v8;
	_ =	sdelay $0x3  }
0x230: {  	[tilespmem:s23+$0xFFFFFF80] =	vst v9  }
0x231: {  	v9 =	vld.idx.msk [tilespmem:v10+s13+$0x0], $0xffff;
	_ =	sdelay $0x1  }
0x232: {  	v10 =	vor.u32 v1, v8;
	_ =	sdelay $0x3  }
0x233: {  	[tilespmem:s23+$0xFFFFFF90] =	vst v9  }
0x234: {  	v9 =	vld.idx.msk [tilespmem:v10+s13+$0x0], $0xffff;
	_ =	sdelay $0x1  }
0x235: {  	v10 =	vor.u32 v2, v8;
	_ =	sdelay $0x3  }
0x236: {  	[tilespmem:s23+$0xFFFFFFA0] =	vst v9  }
0x237: {  	v9 =	vld.idx.msk [tilespmem:v10+s13+$0x0], $0xffff;
	_ =	sdelay $0x1  }
0x238: {  	v10 =	vor.u32 v3, v8;
	_ =	sdelay $0x3  }
0x239: {  	[tilespmem:s23+$0xFFFFFFB0] =	vst v9  }
0x23a: {  	v9 =	vld.idx.msk [tilespmem:v10+s13+$0x0], $0xffff;
	_ =	sdelay $0x1  }
0x23b: {  	v10 =	vor.u32 v4, v8;
	_ =	sdelay $0x3  }
0x23c: {  	[tilespmem:s23+$0xFFFFFFC0] =	vst v9  }
0x23d: {  	v9 =	vld.idx.msk [tilespmem:v10+s13+$0x0], $0xffff;
	_ =	sdelay $0x1  }
0x23e: {  	v10 =	vor.u32 v5, v8;
	_ =	sdelay $0x3  }
0x23f: {  	[tilespmem:s23+$0xFFFFFFD0] =	vst v9  }
0x240: {  	v9 =	vld.idx.msk [tilespmem:v10+s13+$0x0], $0xffff;
	_ =	sdelay $0x1  }
0x241: {  	v10 =	vor.u32 v6, v8;
	_ =	sdelay $0x3  }
0x242: {  	[tilespmem:s23+$0xFFFFFFE0] =	vst v9  }
0x243: {  	v9 =	vld.idx.msk [tilespmem:v10+s13+$0x0], $0xffff  }
.Ltmp4:
0x244: {  	(pc) =	sbr.rel @p0 .LBB2_9-.Ltmp4, $2  }
0x245: {  	v8 =	vor.u32 v7, v8;
	_ =	sdelay $0x2  }
0x246: {  	s25 =	sadd.s32 $0x4, s25;
	v10 =	vmov s24  }
0x247: {  	_ =	sdelay $0x1  }
0x248: {  	v10 =	vand.u32 $0x7C, v10  }
0x249: {  	[tilespmem:s23+$0xFFFFFFF0] =	vst v9;
	v35 =	vbroadcast v10, $0x0  }
0x24a: {  	v8 =	vld.idx.msk [tilespmem:v8+s13+$0x0], $0xffff  }
0x24b: {  	v10 =	vor.u32 v0, v35;
	_ =	sdelay $0x3  }
0x24c: {  	[tilespmem:s23+$0x0] =	vst v8  }
0x24d: {  	v8 =	vld.idx.msk [tilespmem:v10+s13+$0x0], $0xffff  }
0x24e: {  	v36 =	vor.u32 v1, v35;
	_ =	sdelay $0x2  }
0x24f: {  	s29 =	sadd.s32 $0x200, s23  }
0x250: {  	[tilespmem:s29+$0xFFFFFE10] =	vst v8  }
0x251: {  	v8 =	vld.idx.msk [tilespmem:v36+s13+$0x0], $0xffff  }
0x252: {  	v37 =	vor.u32 v2, v35;
	_ =	sdelay $0x3  }
0x253: {  	[tilespmem:s29+$0xFFFFFE20] =	vst v8  }
0x254: {  	v8 =	vld.idx.msk [tilespmem:v37+s13+$0x0], $0xffff  }
0x255: {  	v38 =	vor.u32 v3, v35;
	_ =	sdelay $0x3  }
0x256: {  	[tilespmem:s29+$0xFFFFFE30] =	vst v8  }
0x257: {  	v8 =	vld.idx.msk [tilespmem:v38+s13+$0x0], $0xffff  }
0x258: {  	v39 =	vor.u32 v4, v35;
	_ =	sdelay $0x3  }
0x259: {  	[tilespmem:s29+$0xFFFFFE40] =	vst v8  }
0x25a: {  	v8 =	vld.idx.msk [tilespmem:v39+s13+$0x0], $0xffff  }
0x25b: {  	v40 =	vor.u32 v5, v35;
	_ =	sdelay $0x3  }
0x25c: {  	[tilespmem:s29+$0xFFFFFE50] =	vst v8  }
0x25d: {  	v8 =	vld.idx.msk [tilespmem:v40+s13+$0x0], $0xffff  }
0x25e: {  	v41 =	vor.u32 v6, v35;
	_ =	sdelay $0x3  }
0x25f: {  	[tilespmem:s29+$0xFFFFFE60] =	vst v8  }
0x260: {  	v8 =	vld.idx.msk [tilespmem:v41+s13+$0x0], $0xffff  }
0x261: {  	v9 =	vor.u32 v7, v35  }
0x262: {  	s25 =	sadd.s32 $0x1, s24  }
0x263: {  	v42 =	vmov s25  }
0x264: {  	v10 =	vand.u32 $0x7D, v42  }
0x265: {  	[tilespmem:s29+$0xFFFFFE70] =	vst v8;
	v8 =	vbroadcast v10, $0x0  }
0x266: {  	v9 =	vld.idx.msk [tilespmem:v9+s13+$0x0], $0xffff  }
0x267: {  	v10 =	vor.u32 v0, v8;
	_ =	sdelay $0x3  }
0x268: {  	[tilespmem:s29+$0xFFFFFE80] =	vst v9  }
0x269: {  	v9 =	vld.idx.msk [tilespmem:v10+s13+$0x0], $0xffff  }
0x26a: {  	v43 =	vor.u32 v1, v8;
	_ =	sdelay $0x3  }
0x26b: {  	[tilespmem:s29+$0xFFFFFE90] =	vst v9  }
0x26c: {  	v9 =	vld.idx.msk [tilespmem:v43+s13+$0x0], $0xffff  }
0x26d: {  	v44 =	vor.u32 v2, v8;
	_ =	sdelay $0x3  }
0x26e: {  	[tilespmem:s29+$0xFFFFFEA0] =	vst v9  }
0x26f: {  	v9 =	vld.idx.msk [tilespmem:v44+s13+$0x0], $0xffff  }
0x270: {  	v45 =	vor.u32 v3, v8;
	_ =	sdelay $0x3  }
0x271: {  	[tilespmem:s29+$0xFFFFFEB0] =	vst v9  }
0x272: {  	v9 =	vld.idx.msk [tilespmem:v45+s13+$0x0], $0xffff  }
0x273: {  	v46 =	vor.u32 v4, v8;
	_ =	sdelay $0x3  }
0x274: {  	[tilespmem:s29+$0xFFFFFEC0] =	vst v9  }
0x275: {  	v9 =	vld.idx.msk [tilespmem:v46+s13+$0x0], $0xffff  }
0x276: {  	v47 =	vor.u32 v5, v8;
	_ =	sdelay $0x3  }
0x277: {  	[tilespmem:s29+$0xFFFFFED0] =	vst v9  }
0x278: {  	v9 =	vld.idx.msk [tilespmem:v47+s13+$0x0], $0xffff  }
0x279: {  	v48 =	vor.u32 v6, v8;
	_ =	sdelay $0x3  }
0x27a: {  	[tilespmem:s29+$0xFFFFFEE0] =	vst v9  }
0x27b: {  	v9 =	vld.idx.msk [tilespmem:v48+s13+$0x0], $0xffff  }
0x27c: {  	v8 =	vor.u32 v7, v8  }
0x27d: {  	s30 =	sadd.s32 $0x2, s24  }
0x27e: {  	v49 =	vmov s30  }
0x27f: {  	v10 =	vand.u32 $0x7E, v49  }
0x280: {  	v50 =	vbroadcast v10, $0x0;
	[tilespmem:s29+$0xFFFFFEF0] =	vst v9  }
0x281: {  	v8 =	vld.idx.msk [tilespmem:v8+s13+$0x0], $0xffff  }
0x282: {  	v10 =	vor.u32 v0, v50;
	_ =	sdelay $0x3  }
0x283: {  	[tilespmem:s29+$0xFFFFFF00] =	vst v8  }
0x284: {  	v8 =	vld.idx.msk [tilespmem:v10+s13+$0x0], $0xffff  }
0x285: {  	v51 =	vor.u32 v1, v50;
	_ =	sdelay $0x3  }
0x286: {  	[tilespmem:s29+$0xFFFFFF10] =	vst v8  }
0x287: {  	v8 =	vld.idx.msk [tilespmem:v51+s13+$0x0], $0xffff  }
0x288: {  	v52 =	vor.u32 v2, v50;
	_ =	sdelay $0x3  }
0x289: {  	[tilespmem:s29+$0xFFFFFF20] =	vst v8  }
0x28a: {  	v8 =	vld.idx.msk [tilespmem:v52+s13+$0x0], $0xffff  }
0x28b: {  	v53 =	vor.u32 v3, v50;
	_ =	sdelay $0x3  }
0x28c: {  	[tilespmem:s29+$0xFFFFFF30] =	vst v8  }
0x28d: {  	v8 =	vld.idx.msk [tilespmem:v53+s13+$0x0], $0xffff  }
0x28e: {  	v54 =	vor.u32 v4, v50;
	_ =	sdelay $0x3  }
0x28f: {  	[tilespmem:s29+$0xFFFFFF40] =	vst v8  }
0x290: {  	v8 =	vld.idx.msk [tilespmem:v54+s13+$0x0], $0xffff  }
0x291: {  	v55 =	vor.u32 v5, v50;
	_ =	sdelay $0x3  }
0x292: {  	[tilespmem:s29+$0xFFFFFF50] =	vst v8  }
0x293: {  	v8 =	vld.idx.msk [tilespmem:v55+s13+$0x0], $0xffff  }
0x294: {  	v56 =	vor.u32 v6, v50;
	_ =	sdelay $0x3  }
0x295: {  	[tilespmem:s29+$0xFFFFFF60] =	vst v8  }
0x296: {  	v8 =	vld.idx.msk [tilespmem:v56+s13+$0x0], $0xffff  }
0x297: {  	v9 =	vor.u32 v7, v50  }
0x298: {  	s31 =	sadd.s32 $0x3, s24  }
0x299: {  	v57 =	vmov s31  }
0x29a: {  	v10 =	vand.u32 $0x7F, v57  }
0x29b: {  	[tilespmem:s29+$0xFFFFFF70] =	vst v8;
	v8 =	vbroadcast v10, $0x0  }
0x29c: {  	v9 =	vld.idx.msk [tilespmem:v9+s13+$0x0], $0xffff  }
0x29d: {  	v10 =	vor.u32 v0, v8;
	_ =	sdelay $0x3  }
0x29e: {  	[tilespmem:s29+$0xFFFFFF80] =	vst v9  }
0x29f: {  	v9 =	vld.idx.msk [tilespmem:v10+s13+$0x0], $0xffff  }
0x2a0: {  	v58 =	vor.u32 v1, v8;
	_ =	sdelay $0x3  }
0x2a1: {  	[tilespmem:s29+$0xFFFFFF90] =	vst v9  }
0x2a2: {  	v9 =	vld.idx.msk [tilespmem:v58+s13+$0x0], $0xffff  }
0x2a3: {  	v59 =	vor.u32 v2, v8;
	_ =	sdelay $0x3  }
0x2a4: {  	[tilespmem:s29+$0xFFFFFFA0] =	vst v9  }
0x2a5: {  	v9 =	vld.idx.msk [tilespmem:v59+s13+$0x0], $0xffff  }
0x2a6: {  	v60 =	vor.u32 v3, v8;
	_ =	sdelay $0x3  }
0x2a7: {  	[tilespmem:s29+$0xFFFFFFB0] =	vst v9  }
0x2a8: {  	v9 =	vld.idx.msk [tilespmem:v60+s13+$0x0], $0xffff  }
0x2a9: {  	v61 =	vor.u32 v4, v8;
	_ =	sdelay $0x3  }
0x2aa: {  	[tilespmem:s29+$0xFFFFFFC0] =	vst v9  }
0x2ab: {  	v9 =	vld.idx.msk [tilespmem:v61+s13+$0x0], $0xffff  }
0x2ac: {  	v62 =	vor.u32 v5, v8;
	_ =	sdelay $0x3  }
0x2ad: {  	[tilespmem:s29+$0xFFFFFFD0] =	vst v9  }
0x2ae: {  	v9 =	vld.idx.msk [tilespmem:v62+s13+$0x0], $0xffff  }
0x2af: {  	v63 =	vor.u32 v6, v8;
	_ =	sdelay $0x3  }
0x2b0: {  	[tilespmem:s29+$0xFFFFFFE0] =	vst v9  }
0x2b1: {  	v9 =	vld.idx.msk [tilespmem:v63+s13+$0x0], $0xffff  }
0x2b2: {  	v8 =	vor.u32 v7, v8;
	_ =	sdelay $0x3  }
0x2b3: {  	[tilespmem:s29+$0xFFFFFFF0] =	vst v9  }
0x2b4: {  	s21 =	sadd.s32 $0x1, s21;
	v8 =	vld.idx.msk [tilespmem:v8+s13+$0x0], $0xffff  }
0x2b5: {  	p0 =	sne.s32 s21, $0x64  }
.Ltmp5:
0x2b6: {  	s22 =	sshll.u32 s22, $0x12;
	(pc) =	sbr.rel @p0 .LBB2_2-.Ltmp5, $4  }
0x2b7: {  	s22 =	sor.u32 s4, s22  }
0x2b8: {  	s22 =	sshrl.u32 s22, $0x3  }
0x2b9: {  	s22 =	sadd.s32 s1, s22;
	[tilespmem:s29+$0x0] =	vst v8  }
0x2ba: {  	[hbm4b:s22+s8] =	stream.strided.scatter [tilespmem:s18], [sflag:$0x4], $0x2000, s9, s8, $0x38;
	[tilespmem:$0x12400] =	vst v63  }
0x2bb: {  	s20 =	sadd.s32 $0x1, s20  }
0x2bc: {  	_ =	swait.ge [sflag:s19], $0x2000;
	p0 =	sne.s32 s20, s7  }
.Ltmp6:
0x2bd: {  	[sflag:s19] =	ssyncset.done $0x0;
	(pc) =	sbr.rel @p0 .LBB2_1-.Ltmp6, $4  }
0x2be: {  	[sflag:s19] =	ssyncadd.s32 $0xFFFFE000  }
0x2bf: {  	_ =	swait.ge [sflag:s17], $0x2000  }
0x2c0: {  	[sflag:s17] =	ssyncset.done $0x0  }
0x2c1: {  	[sflag:s17] =	ssyncadd.s32 $0xFFFFE000  }
0x2c2: {  	_ =	sfence.sel $0x180000  }
0x2c3: {  	[bflag:$0x0] =	sbarrier.arrive $0xFFFF  }
0x2c4: {  	p0 =	sne.s32 s2, $0x0;
	_ =	strace $0x90000047  }
0x2c5: {  	s0 =	sadd.s32 @!p0 $0x100000, s0;
	[bflag:$0x2] =	sbarrier.arrive $0xFFFF  }
0x2c6: {  	[sflag:s0] =	ssyncadd.tile.s32 @!p0 $0x1;
	_ =	shalt  }
.Lfunc_end2:
_tile_overlayer_lowered:
.L_overlay_start_2:
0x2c7: {  	(tag) =	ssettag $0x2  }
0x2c8: {  	s0 =	rddreg [dreg:$0x0];
	s2 =	stileid.u32  }
0x2c9: {  	s1 =	rddreg [dreg:$0x1];
	p0 =	sne.s32 s2, $0x0  }
0x2ca: {  	s3 =	rddreg [dreg:$0x2];
	[bflag:$0x3] =	sbarrier.arrive $0xFFFF;
	s2 =	simm.s32 @!p0 $0x1C05  }
0x2cb: {  	[timem:s3], [sflag:s2] =	dma.local @!p0 [hbm:s0], s1  }
0x2cc: {  	s0 =	simm.s32 @!p0 $0x5  }
0x2cd: {  	_ =	swait.ge @!p0 [sflag:s0], s1  }
0x2ce: {  	s1 =	ssub.s32 @!p0 $0x0, s1;
	[sflag:s0] =	ssyncset.done @!p0 $0x0  }
0x2cf: {  	[sflag:s0] =	ssyncadd.s32 @!p0 s1  }
0x2d0: {  	[bflag:$0x3] =	sbarrier.arrive $0xFFFF  }
0x2d1: {  	_ =	shalt  }

</sc_bundles>
